<compile_context>
chip_gen: v7x
topology: tpu7x:2x2x1
jax: 0.10.2.dev20260603
libtpu: 0.0.44.dev20260713+nightly
codegen_flags: <defaults>
</compile_context>

<pallas_src>
import jax
import jax.numpy as jnp
from jax import lax
from jax.experimental import pallas as pl
from jax.experimental.pallas import tpu as pltpu
from jax.experimental.pallas import tpu_sc as plsc

DIMS = 4
W = 72
NPIX = W * W
NWORK = 16
NPIXP = 5376
CHUNK = NPIXP // NWORK
NVEC = CHUNK // 16
NSMALL = 7 * 16
BLOCK = NSMALL + 6 * CHUNK
HW_OFF = NSMALL
FEAT_OFF = NSMALL + 2 * CHUNK
RWIN = 10.0


def _iou_body(fused_hbm, out_hbm, blk_v, out_v, sem):
    wid = lax.axis_index("s")
    pltpu.async_copy(fused_hbm.at[pl.ds(wid * BLOCK, BLOCK)], blk_v, sem).wait()
    chv = blk_v[pl.ds(0, 16)]
    cwv = blk_v[pl.ds(16, 16)]
    rad = blk_v[pl.ds(32, 16)]
    tl = blk_v[pl.ds(48, 16)]
    tr = blk_v[pl.ds(64, 16)]
    tt = blk_v[pl.ds(80, 16)]
    tb = blk_v[pl.ds(96, 16)]
    for j in range(NVEC):
        hf = blk_v[pl.ds(HW_OFF + j * 16, 16)]
        wf = blk_v[pl.ds(HW_OFF + CHUNK + j * 16, 16)]
        rhf = hf - chv
        rwf = wf - cwv
        rha = jnp.abs(rhf)
        rwa = jnp.abs(rwf)
        inwin = (rha <= RWIN) & (rwa <= RWIN) & (rha <= rad) & (rwa <= rad)
        twl = tl + rwf
        twr = tr - rwf
        tht = tt + rhf
        thb = tb - rhf
        okt = (twl >= 0.0) & (twr >= 0.0) & (tht >= 0.0) & (thb >= 0.0)
        p0 = blk_v[pl.ds(FEAT_OFF + 0 * CHUNK + j * 16, 16)]
        p1 = blk_v[pl.ds(FEAT_OFF + 1 * CHUNK + j * 16, 16)]
        p2 = blk_v[pl.ds(FEAT_OFF + 2 * CHUNK + j * 16, 16)]
        p3 = blk_v[pl.ds(FEAT_OFF + 3 * CHUNK + j * 16, 16)]
        t_area = (twl + twr) * (tht + thb)
        p_area = (p0 + p1) * (p2 + p3)
        w_int = jnp.minimum(p0, twl) + jnp.minimum(p1, twr)
        h_int = jnp.minimum(p3, thb) + jnp.minimum(p2, tht)
        a_int = w_int * h_int
        a_un = t_area + p_area - a_int
        iou = (a_int + 1.0) / (a_un + 1.0)
        out_v[pl.ds(j * 16, 16)] = jnp.where(inwin & okt, iou, 0.0)
    pltpu.sync_copy(out_v, out_hbm.at[pl.ds(wid * CHUNK, CHUNK)])


def kernel(output, ind, target, radius):
    feat = output.reshape(-1, DIMS, NPIX)[0]
    featp = jnp.pad(feat, ((0, 0), (0, NPIXP - NPIX)))
    feat_b = jnp.transpose(featp.reshape(DIMS, NWORK, CHUNK), (1, 0, 2))
    pix = jnp.arange(NPIXP, dtype=jnp.float32)
    hw = jnp.stack([jnp.floor(pix / W), pix % W])
    hw_b = jnp.transpose(hw.reshape(2, NWORK, CHUNK), (1, 0, 2))
    cen = ind.reshape(-1)[0].astype(jnp.float32)
    t4 = target.reshape(-1, DIMS)[0]
    small = jnp.concatenate([
        jnp.broadcast_to(jnp.floor(cen / W), (16,)),
        jnp.broadcast_to(cen % W, (16,)),
        jnp.broadcast_to(jnp.asarray(radius, jnp.float32), (16,)),
        jnp.broadcast_to(t4[0], (16,)),
        jnp.broadcast_to(t4[1], (16,)),
        jnp.broadcast_to(t4[2], (16,)),
        jnp.broadcast_to(t4[3], (16,)),
    ])
    fused = jnp.concatenate([
        jnp.broadcast_to(small[None, :], (NWORK, NSMALL)),
        hw_b.reshape(NWORK, 2 * CHUNK),
        feat_b.reshape(NWORK, DIMS * CHUNK),
    ], axis=1).reshape(-1)
    mesh = plsc.VectorSubcoreMesh(
        core_axis_name="c", subcore_axis_name="s", num_cores=1)
    iou_flat = pl.kernel(
        _iou_body,
        mesh=mesh,
        out_type=jax.ShapeDtypeStruct((NPIXP,), jnp.float32),
        scratch_types=[
            pltpu.VMEM((BLOCK,), jnp.float32),
            pltpu.VMEM((CHUNK,), jnp.float32),
            pltpu.SemaphoreType.DMA,
        ],
    )(fused)
    return iou_flat[:NPIX].reshape(W, W)

# --- scband reference (transcript-rebuilt; emitter-appended) ---
"""Pipeline reference for scband-dense-iou-pred-42442866819104 (READ-ONLY COPY).

The authoritative reference and input builder live on the scoring server;
editing this copy changes nothing except your own understanding.
"""

import jax, jax.numpy as jnp
import numpy as np

DIM = 4


def _iou(pred, target):
    pl, pr, pt, pb = pred[:, 0], pred[:, 1], pred[:, 2], pred[:, 3]
    tl, tr, tt, tb = target[:, 0], target[:, 1], target[:, 2], target[:, 3]
    target_area = (tl + tr) * (tt + tb)
    pred_area = (pl + pr) * (pt + pb)
    w_intersect = jnp.minimum(pl, tl) + jnp.minimum(pr, tr)
    h_intersect = jnp.minimum(pb, tb) + jnp.minimum(pt, tt)
    area_intersect = w_intersect * h_intersect
    area_union = target_area + pred_area - area_intersect
    iou = (area_intersect + 1.0) / (area_union + 1.0)
    return iou.mean()


def setup_inputs(seed: int = 0):
    key = jax.random.key(seed)
    k1, k2, k3 = jax.random.split(key, 3)
    output = jax.random.normal(k1, (32, 16, 4, 72, 72), dtype=jnp.float32)
    ind = jax.random.randint(k2, (32, 16, 1), 0, 72 * 72)
    target = jax.random.randint(k3, (32, 16, 4), 0, 30).astype(jnp.float32)
    radius = 10
    return {"output": output, "ind": ind, "target": target, "radius": radius}


def reference(output, ind, target, radius):
    dim = DIM
    width, height = output.shape[-2], output.shape[-1]
    output = output.reshape(-1, dim, width, height)[0:1]
    target = target.reshape(-1, dim)[0:1]
    ind = ind.reshape(-1, 1)[0:1]
    center_idx = ind[0, 0]
    center_w = center_idx % width
    center_h = center_idx // width
    # permute(0,2,3,1) + flatten spatial dims, as in _tranpose_and_gather_feat
    feat = jnp.transpose(output, (0, 2, 3, 1)).reshape(1, width * height, dim)
    iou_map = jnp.zeros((width, height), dtype=jnp.float32)
    R = 10
    side = 2 * R + 1

    def body(i, iou_map):
        r_w = i // side - R
        r_h = i % side - R
        target_wl = target[:, 0] + r_w
        target_wr = target[:, 1] - r_w
        target_ht = target[:, 2] + r_h
        target_hb = target[:, 3] - r_h
        ok_target = ~(
            (target_wl < 0.0).any()
            | (target_wr < 0.0).any()
            | (target_ht < 0.0).any()
            | (target_hb < 0.0).any()
        )
        ok_center = (
            (center_h + r_h >= 0)
            & (center_h + r_h < width)
            & (center_w + r_w >= 0)
            & (center_w + r_w < width)
        )
        ok_radius = (jnp.abs(r_w) <= radius) & (jnp.abs(r_h) <= radius)
        ok = ok_target & ok_center & ok_radius
        target_curr = jnp.stack((target_wl, target_wr, target_ht, target_hb), axis=1)
        idx = (center_h + r_h) * width + (center_w + r_w)
        pred_curr = feat[:, idx, :]
        iou_curr = _iou(pred_curr, target_curr)
        h_i = center_h + r_h
        w_i = center_w + r_w
        val = jnp.where(ok, iou_curr, iou_map[h_i, w_i])
        return iou_map.at[h_i, w_i].set(val)

    iou_map = jax.lax.fori_loop(0, side * side, body, iou_map)
    return iou_map

if __name__ == "__main__":
    import jax
    _d = setup_inputs()
    print(jax.jit(kernel)(*tuple(_d.values())))

</pallas_src>

<mosaic_0001>
#map = affine_map<(d0, d1) -> (0)>
module attributes {stable_mosaic.version = 14 : i64} {
  func.func @_iou_body(%arg0: i32, %arg1: i32, %arg2: memref<34048xf32, #tpu.memory_space<hbm>>, %arg3: memref<5376xf32, #tpu.memory_space<hbm>>, %arg4: memref<2128xf32, #tpu.memory_space<vmem>>, %arg5: memref<336xf32, #tpu.memory_space<vmem>>, %arg6: memref<!tpu.dma_semaphore, #tpu.memory_space<semaphore_mem>>) attributes {dimension_semantics = [#tpu.dimension_semantics<core_parallel>, #tpu.dimension_semantics<subcore_parallel>], iteration_bounds = array<i64: 1, 16>, scalar_prefetch = 0 : i64, scratch_operands = 3 : i64, tpu.core_type = #tpu.core_type<sc_vector_subcore>, window_params = [{transform_indices = #map}, {transform_indices = #map}]} {
    %mul3A = arith.constant 2128 : i32
    %mul3A_0 = arith.muli %arg1, %mul3A : i32
    %dma_start3A = tpu.memref_slice %arg2[%mul3A_0] : memref<34048xf32, #tpu.memory_space<hbm>> -> memref<2128xf32, #tpu.memory_space<hbm>>
    %dma_start3A_1 = tpu.memref_slice %arg2[%mul3A_0] : memref<34048xf32, #tpu.memory_space<hbm>> -> memref<2128xf32, #tpu.memory_space<hbm>>
    tpu.enqueue_dma source(%dma_start3A_1 : memref<2128xf32, #tpu.memory_space<hbm>>) target(%arg4 : memref<2128xf32, #tpu.memory_space<vmem>>) target_semaphore(%arg6 : memref<!tpu.dma_semaphore, #tpu.memory_space<semaphore_mem>>)
    %dma_wait3A = tpu.memref_slice %arg2[%mul3A_0] : memref<34048xf32, #tpu.memory_space<hbm>> -> memref<2128xf32, #tpu.memory_space<hbm>>
    %dma_wait3A_2 = tpu.memref_slice %arg2[%mul3A_0] : memref<34048xf32, #tpu.memory_space<hbm>> -> memref<2128xf32, #tpu.memory_space<hbm>>
    tpu.wait_dma2 semaphore(%arg6 : memref<!tpu.dma_semaphore, #tpu.memory_space<semaphore_mem>>) src(%dma_wait3A_2 : memref<2128xf32, #tpu.memory_space<hbm>>) dst(%arg4 : memref<2128xf32, #tpu.memory_space<vmem>>)
    %get3A = arith.constant 0 : index
    %get3A_3 = tpu.vector_load %arg4[%get3A] {strides = array<i32>} : memref<2128xf32, #tpu.memory_space<vmem>>, vector<16xf32>,
    %get3A_4 = vector.shape_cast %get3A_3 : vector<16xf32> to vector<16xf32>
    %get3A_5 = arith.constant 16 : index
    %get3A_6 = tpu.vector_load %arg4[%get3A_5] {strides = array<i32>} : memref<2128xf32, #tpu.memory_space<vmem>>, vector<16xf32>,
    %get3A_7 = vector.shape_cast %get3A_6 : vector<16xf32> to vector<16xf32>
    %get3A_8 = arith.constant 32 : index
    %get3A_9 = tpu.vector_load %arg4[%get3A_8] {strides = array<i32>} : memref<2128xf32, #tpu.memory_space<vmem>>, vector<16xf32>,
    %get3A_10 = vector.shape_cast %get3A_9 : vector<16xf32> to vector<16xf32>
    %get3A_11 = arith.constant 48 : index
    %get3A_12 = tpu.vector_load %arg4[%get3A_11] {strides = array<i32>} : memref<2128xf32, #tpu.memory_space<vmem>>, vector<16xf32>,
    %get3A_13 = vector.shape_cast %get3A_12 : vector<16xf32> to vector<16xf32>
    %get3A_14 = arith.constant 64 : index
    %get3A_15 = tpu.vector_load %arg4[%get3A_14] {strides = array<i32>} : memref<2128xf32, #tpu.memory_space<vmem>>, vector<16xf32>,
    %get3A_16 = vector.shape_cast %get3A_15 : vector<16xf32> to vector<16xf32>
    %get3A_17 = arith.constant 80 : index
    %get3A_18 = tpu.vector_load %arg4[%get3A_17] {strides = array<i32>} : memref<2128xf32, #tpu.memory_space<vmem>>, vector<16xf32>,
    %get3A_19 = vector.shape_cast %get3A_18 : vector<16xf32> to vector<16xf32>
    %get3A_20 = arith.constant 96 : index
    %get3A_21 = tpu.vector_load %arg4[%get3A_20] {strides = array<i32>} : memref<2128xf32, #tpu.memory_space<vmem>>, vector<16xf32>,
    %get3A_22 = vector.shape_cast %get3A_21 : vector<16xf32> to vector<16xf32>
    %get3A_23 = arith.constant 112 : index
    %get3A_24 = tpu.vector_load %arg4[%get3A_23] {strides = array<i32>} : memref<2128xf32, #tpu.memory_space<vmem>>, vector<16xf32>,
    %get3A_25 = vector.shape_cast %get3A_24 : vector<16xf32> to vector<16xf32>
    %get3A_26 = arith.constant 448 : index
    %get3A_27 = tpu.vector_load %arg4[%get3A_26] {strides = array<i32>} : memref<2128xf32, #tpu.memory_space<vmem>>, vector<16xf32>,
    %get3A_28 = vector.shape_cast %get3A_27 : vector<16xf32> to vector<16xf32>
    %sub3A = arith.subf %get3A_25, %get3A_4 : vector<16xf32>
    %sub3A_29 = arith.subf %get3A_28, %get3A_7 : vector<16xf32>
    %abs3A = math.absf %sub3A : vector<16xf32>
    %abs3A_30 = math.absf %sub3A_29 : vector<16xf32>
    %le3A = arith.constant 1.000000e+01 : f32
    %le3A_31 = vector.broadcast %le3A : f32 to vector<16xf32>
    %le3A_32 = arith.cmpf ole, %abs3A, %le3A_31 : vector<16xf32>
    %le3A_33 = arith.constant 1.000000e+01 : f32
    %le3A_34 = vector.broadcast %le3A_33 : f32 to vector<16xf32>
    %le3A_35 = arith.cmpf ole, %abs3A_30, %le3A_34 : vector<16xf32>
    %and3A = arith.andi %le3A_32, %le3A_35 : vector<16xi1>
    %le3A_36 = arith.cmpf ole, %abs3A, %get3A_10 : vector<16xf32>
    %and3A_37 = arith.andi %and3A, %le3A_36 : vector<16xi1>
    %le3A_38 = arith.cmpf ole, %abs3A_30, %get3A_10 : vector<16xf32>
    %and3A_39 = arith.andi %and3A_37, %le3A_38 : vector<16xi1>
    %add3A = arith.addf %get3A_13, %sub3A_29 : vector<16xf32>
    %sub3A_40 = arith.subf %get3A_16, %sub3A_29 : vector<16xf32>
    %add3A_41 = arith.addf %get3A_19, %sub3A : vector<16xf32>
    %sub3A_42 = arith.subf %get3A_22, %sub3A : vector<16xf32>
    %ge3A = arith.constant 0.000000e+00 : f32
    %ge3A_43 = vector.broadcast %ge3A : f32 to vector<16xf32>
    %ge3A_44 = arith.cmpf oge, %add3A, %ge3A_43 : vector<16xf32>
    %ge3A_45 = arith.constant 0.000000e+00 : f32
    %ge3A_46 = vector.broadcast %ge3A_45 : f32 to vector<16xf32>
    %ge3A_47 = arith.cmpf oge, %sub3A_40, %ge3A_46 : vector<16xf32>
    %and3A_48 = arith.andi %ge3A_44, %ge3A_47 : vector<16xi1>
    %ge3A_49 = arith.constant 0.000000e+00 : f32
    %ge3A_50 = vector.broadcast %ge3A_49 : f32 to vector<16xf32>
    %ge3A_51 = arith.cmpf oge, %add3A_41, %ge3A_50 : vector<16xf32>
    %and3A_52 = arith.andi %and3A_48, %ge3A_51 : vector<16xi1>
    %ge3A_53 = arith.constant 0.000000e+00 : f32
    %ge3A_54 = vector.broadcast %ge3A_53 : f32 to vector<16xf32>
    %ge3A_55 = arith.cmpf oge, %sub3A_42, %ge3A_54 : vector<16xf32>
    %and3A_56 = arith.andi %and3A_52, %ge3A_55 : vector<16xi1>
    %get3A_57 = arith.constant 784 : index
    %get3A_58 = tpu.vector_load %arg4[%get3A_57] {strides = array<i32>} : memref<2128xf32, #tpu.memory_space<vmem>>, vector<16xf32>,
    %get3A_59 = vector.shape_cast %get3A_58 : vector<16xf32> to vector<16xf32>
    %get3A_60 = arith.constant 1120 : index
    %get3A_61 = tpu.vector_load %arg4[%get3A_60] {strides = array<i32>} : memref<2128xf32, #tpu.memory_space<vmem>>, vector<16xf32>,
    %get3A_62 = vector.shape_cast %get3A_61 : vector<16xf32> to vector<16xf32>
    %get3A_63 = arith.constant 1456 : index
    %get3A_64 = tpu.vector_load %arg4[%get3A_63] {strides = array<i32>} : memref<2128xf32, #tpu.memory_space<vmem>>, vector<16xf32>,
    %get3A_65 = vector.shape_cast %get3A_64 : vector<16xf32> to vector<16xf32>
    %get3A_66 = arith.constant 1792 : index
    %get3A_67 = tpu.vector_load %arg4[%get3A_66] {strides = array<i32>} : memref<2128xf32, #tpu.memory_space<vmem>>, vector<16xf32>,
    %get3A_68 = vector.shape_cast %get3A_67 : vector<16xf32> to vector<16xf32>
    %add3A_69 = arith.addf %add3A, %sub3A_40 : vector<16xf32>
    %add3A_70 = arith.addf %add3A_41, %sub3A_42 : vector<16xf32>
    %mul3A_71 = arith.mulf %add3A_69, %add3A_70 : vector<16xf32>
    %add3A_72 = arith.addf %get3A_59, %get3A_62 : vector<16xf32>
    %add3A_73 = arith.addf %get3A_65, %get3A_68 : vector<16xf32>
    %mul3A_74 = arith.mulf %add3A_72, %add3A_73 : vector<16xf32>
    %min3A = arith.minimumf %get3A_59, %add3A : vector<16xf32>
    %min3A_75 = arith.minimumf %get3A_62, %sub3A_40 : vector<16xf32>
    %add3A_76 = arith.addf %min3A, %min3A_75 : vector<16xf32>
    %min3A_77 = arith.minimumf %get3A_68, %sub3A_42 : vector<16xf32>
    %min3A_78 = arith.minimumf %get3A_65, %add3A_41 : vector<16xf32>
    %add3A_79 = arith.addf %min3A_77, %min3A_78 : vector<16xf32>
    %mul3A_80 = arith.mulf %add3A_76, %add3A_79 : vector<16xf32>
    %add3A_81 = arith.addf %mul3A_71, %mul3A_74 : vector<16xf32>
    %sub3A_82 = arith.subf %add3A_81, %mul3A_80 : vector<16xf32>
    %add3A_83 = arith.constant 1.000000e+00 : f32
    %add3A_84 = vector.broadcast %add3A_83 : f32 to vector<16xf32>
    %add3A_85 = arith.addf %mul3A_80, %add3A_84 : vector<16xf32>
    %add3A_86 = arith.constant 1.000000e+00 : f32
    %add3A_87 = vector.broadcast %add3A_86 : f32 to vector<16xf32>
    %add3A_88 = arith.addf %sub3A_82, %add3A_87 : vector<16xf32>
    %div3A = arith.divf %add3A_85, %add3A_88 : vector<16xf32>
    %and3A_89 = arith.andi %and3A_39, %and3A_56 : vector<16xi1>
    %jit3A = arith.constant 0.000000e+00 : f32
    %broadcast_in_dim3A = vector.broadcast %jit3A : f32 to vector<16xf32>
    %select_n3A = arith.select %and3A_89, %div3A, %broadcast_in_dim3A : vector<16xi1>, vector<16xf32>
    %swap3A = arith.constant 0 : index
    %swap3A_90 = tpu.vector_load %arg5[%swap3A] {strides = array<i32>} : memref<336xf32, #tpu.memory_space<vmem>>, vector<16xf32>,
    %swap3A_91 = vector.shape_cast %swap3A_90 : vector<16xf32> to vector<16xf32>
    %swap3A_92 = vector.shape_cast %select_n3A : vector<16xf32> to vector<16xf32>
    tpu.vector_store %arg5[%swap3A], %swap3A_92 {strides = array<i32>} : memref<336xf32, #tpu.memory_space<vmem>>, vector<16xf32>,
    %get3A_93 = arith.constant 128 : index
    %get3A_94 = tpu.vector_load %arg4[%get3A_93] {strides = array<i32>} : memref<2128xf32, #tpu.memory_space<vmem>>, vector<16xf32>,
    %get3A_95 = vector.shape_cast %get3A_94 : vector<16xf32> to vector<16xf32>
    %get3A_96 = arith.constant 464 : index
    %get3A_97 = tpu.vector_load %arg4[%get3A_96] {strides = array<i32>} : memref<2128xf32, #tpu.memory_space<vmem>>, vector<16xf32>,
    %get3A_98 = vector.shape_cast %get3A_97 : vector<16xf32> to vector<16xf32>
    %sub3A_99 = arith.subf %get3A_95, %get3A_4 : vector<16xf32>
    %sub3A_100 = arith.subf %get3A_98, %get3A_7 : vector<16xf32>
    %abs3A_101 = math.absf %sub3A_99 : vector<16xf32>
    %abs3A_102 = math.absf %sub3A_100 : vector<16xf32>
    %le3A_103 = arith.constant 1.000000e+01 : f32
    %le3A_104 = vector.broadcast %le3A_103 : f32 to vector<16xf32>
    %le3A_105 = arith.cmpf ole, %abs3A_101, %le3A_104 : vector<16xf32>
    %le3A_106 = arith.constant 1.000000e+01 : f32
    %le3A_107 = vector.broadcast %le3A_106 : f32 to vector<16xf32>
    %le3A_108 = arith.cmpf ole, %abs3A_102, %le3A_107 : vector<16xf32>
    %and3A_109 = arith.andi %le3A_105, %le3A_108 : vector<16xi1>
    %le3A_110 = arith.cmpf ole, %abs3A_101, %get3A_10 : vector<16xf32>
    %and3A_111 = arith.andi %and3A_109, %le3A_110 : vector<16xi1>
    %le3A_112 = arith.cmpf ole, %abs3A_102, %get3A_10 : vector<16xf32>
    %and3A_113 = arith.andi %and3A_111, %le3A_112 : vector<16xi1>
    %add3A_114 = arith.addf %get3A_13, %sub3A_100 : vector<16xf32>
    %sub3A_115 = arith.subf %get3A_16, %sub3A_100 : vector<16xf32>
    %add3A_116 = arith.addf %get3A_19, %sub3A_99 : vector<16xf32>
    %sub3A_117 = arith.subf %get3A_22, %sub3A_99 : vector<16xf32>
    %ge3A_118 = arith.constant 0.000000e+00 : f32
    %ge3A_119 = vector.broadcast %ge3A_118 : f32 to vector<16xf32>
    %ge3A_120 = arith.cmpf oge, %add3A_114, %ge3A_119 : vector<16xf32>
    %ge3A_121 = arith.constant 0.000000e+00 : f32
    %ge3A_122 = vector.broadcast %ge3A_121 : f32 to vector<16xf32>
    %ge3A_123 = arith.cmpf oge, %sub3A_115, %ge3A_122 : vector<16xf32>
    %and3A_124 = arith.andi %ge3A_120, %ge3A_123 : vector<16xi1>
    %ge3A_125 = arith.constant 0.000000e+00 : f32
    %ge3A_126 = vector.broadcast %ge3A_125 : f32 to vector<16xf32>
    %ge3A_127 = arith.cmpf oge, %add3A_116, %ge3A_126 : vector<16xf32>
    %and3A_128 = arith.andi %and3A_124, %ge3A_127 : vector<16xi1>
    %ge3A_129 = arith.constant 0.000000e+00 : f32
    %ge3A_130 = vector.broadcast %ge3A_129 : f32 to vector<16xf32>
    %ge3A_131 = arith.cmpf oge, %sub3A_117, %ge3A_130 : vector<16xf32>
    %and3A_132 = arith.andi %and3A_128, %ge3A_131 : vector<16xi1>
    %get3A_133 = arith.constant 800 : index
    %get3A_134 = tpu.vector_load %arg4[%get3A_133] {strides = array<i32>} : memref<2128xf32, #tpu.memory_space<vmem>>, vector<16xf32>,
    %get3A_135 = vector.shape_cast %get3A_134 : vector<16xf32> to vector<16xf32>
    %get3A_136 = arith.constant 1136 : index
    %get3A_137 = tpu.vector_load %arg4[%get3A_136] {strides = array<i32>} : memref<2128xf32, #tpu.memory_space<vmem>>, vector<16xf32>,
    %get3A_138 = vector.shape_cast %get3A_137 : vector<16xf32> to vector<16xf32>
    %get3A_139 = arith.constant 1472 : index
    %get3A_140 = tpu.vector_load %arg4[%get3A_139] {strides = array<i32>} : memref<2128xf32, #tpu.memory_space<vmem>>, vector<16xf32>,
    %get3A_141 = vector.shape_cast %get3A_140 : vector<16xf32> to vector<16xf32>
    %get3A_142 = arith.constant 1808 : index
    %get3A_143 = tpu.vector_load %arg4[%get3A_142] {strides = array<i32>} : memref<2128xf32, #tpu.memory_space<vmem>>, vector<16xf32>,
    %get3A_144 = vector.shape_cast %get3A_143 : vector<16xf32> to vector<16xf32>
    %add3A_145 = arith.addf %add3A_114, %sub3A_115 : vector<16xf32>
    %add3A_146 = arith.addf %add3A_116, %sub3A_117 : vector<16xf32>
    %mul3A_147 = arith.mulf %add3A_145, %add3A_146 : vector<16xf32>
    %add3A_148 = arith.addf %get3A_135, %get3A_138 : vector<16xf32>
    %add3A_149 = arith.addf %get3A_141, %get3A_144 : vector<16xf32>
    %mul3A_150 = arith.mulf %add3A_148, %add3A_149 : vector<16xf32>
    %min3A_151 = arith.minimumf %get3A_135, %add3A_114 : vector<16xf32>
    %min3A_152 = arith.minimumf %get3A_138, %sub3A_115 : vector<16xf32>
    %add3A_153 = arith.addf %min3A_151, %min3A_152 : vector<16xf32>
    %min3A_154 = arith.minimumf %get3A_144, %sub3A_117 : vector<16xf32>
    %min3A_155 = arith.minimumf %get3A_141, %add3A_116 : vector<16xf32>
    %add3A_156 = arith.addf %min3A_154, %min3A_155 : vector<16xf32>
    %mul3A_157 = arith.mulf %add3A_153, %add3A_156 : vector<16xf32>
    %add3A_158 = arith.addf %mul3A_147, %mul3A_150 : vector<16xf32>
    %sub3A_159 = arith.subf %add3A_158, %mul3A_157 : vector<16xf32>
    %add3A_160 = arith.constant 1.000000e+00 : f32
    %add3A_161 = vector.broadcast %add3A_160 : f32 to vector<16xf32>
    %add3A_162 = arith.addf %mul3A_157, %add3A_161 : vector<16xf32>
    %add3A_163 = arith.constant 1.000000e+00 : f32
    %add3A_164 = vector.broadcast %add3A_163 : f32 to vector<16xf32>
    %add3A_165 = arith.addf %sub3A_159, %add3A_164 : vector<16xf32>
    %div3A_166 = arith.divf %add3A_162, %add3A_165 : vector<16xf32>
    %and3A_167 = arith.andi %and3A_113, %and3A_132 : vector<16xi1>
    %jit3A_168 = arith.constant 0.000000e+00 : f32
    %broadcast_in_dim3A_169 = vector.broadcast %jit3A_168 : f32 to vector<16xf32>
    %select_n3A_170 = arith.select %and3A_167, %div3A_166, %broadcast_in_dim3A_169 : vector<16xi1>, vector<16xf32>
    %swap3A_171 = arith.constant 16 : index
    %swap3A_172 = tpu.vector_load %arg5[%swap3A_171] {strides = array<i32>} : memref<336xf32, #tpu.memory_space<vmem>>, vector<16xf32>,
    %swap3A_173 = vector.shape_cast %swap3A_172 : vector<16xf32> to vector<16xf32>
    %swap3A_174 = vector.shape_cast %select_n3A_170 : vector<16xf32> to vector<16xf32>
    tpu.vector_store %arg5[%swap3A_171], %swap3A_174 {strides = array<i32>} : memref<336xf32, #tpu.memory_space<vmem>>, vector<16xf32>,
    %get3A_175 = arith.constant 144 : index
    %get3A_176 = tpu.vector_load %arg4[%get3A_175] {strides = array<i32>} : memref<2128xf32, #tpu.memory_space<vmem>>, vector<16xf32>,
    %get3A_177 = vector.shape_cast %get3A_176 : vector<16xf32> to vector<16xf32>
    %get3A_178 = arith.constant 480 : index
    %get3A_179 = tpu.vector_load %arg4[%get3A_178] {strides = array<i32>} : memref<2128xf32, #tpu.memory_space<vmem>>, vector<16xf32>,
    %get3A_180 = vector.shape_cast %get3A_179 : vector<16xf32> to vector<16xf32>
    %sub3A_181 = arith.subf %get3A_177, %get3A_4 : vector<16xf32>
    %sub3A_182 = arith.subf %get3A_180, %get3A_7 : vector<16xf32>
    %abs3A_183 = math.absf %sub3A_181 : vector<16xf32>
    %abs3A_184 = math.absf %sub3A_182 : vector<16xf32>
    %le3A_185 = arith.constant 1.000000e+01 : f32
    %le3A_186 = vector.broadcast %le3A_185 : f32 to vector<16xf32>
    %le3A_187 = arith.cmpf ole, %abs3A_183, %le3A_186 : vector<16xf32>
    %le3A_188 = arith.constant 1.000000e+01 : f32
    %le3A_189 = vector.broadcast %le3A_188 : f32 to vector<16xf32>
    %le3A_190 = arith.cmpf ole, %abs3A_184, %le3A_189 : vector<16xf32>
    %and3A_191 = arith.andi %le3A_187, %le3A_190 : vector<16xi1>
    %le3A_192 = arith.cmpf ole, %abs3A_183, %get3A_10 : vector<16xf32>
    %and3A_193 = arith.andi %and3A_191, %le3A_192 : vector<16xi1>
    %le3A_194 = arith.cmpf ole, %abs3A_184, %get3A_10 : vector<16xf32>
    %and3A_195 = arith.andi %and3A_193, %le3A_194 : vector<16xi1>
    %add3A_196 = arith.addf %get3A_13, %sub3A_182 : vector<16xf32>
    %sub3A_197 = arith.subf %get3A_16, %sub3A_182 : vector<16xf32>
    %add3A_198 = arith.addf %get3A_19, %sub3A_181 : vector<16xf32>
    %sub3A_199 = arith.subf %get3A_22, %sub3A_181 : vector<16xf32>
    %ge3A_200 = arith.constant 0.000000e+00 : f32
    %ge3A_201 = vector.broadcast %ge3A_200 : f32 to vector<16xf32>
    %ge3A_202 = arith.cmpf oge, %add3A_196, %ge3A_201 : vector<16xf32>
    %ge3A_203 = arith.constant 0.000000e+00 : f32
    %ge3A_204 = vector.broadcast %ge3A_203 : f32 to vector<16xf32>
    %ge3A_205 = arith.cmpf oge, %sub3A_197, %ge3A_204 : vector<16xf32>
    %and3A_206 = arith.andi %ge3A_202, %ge3A_205 : vector<16xi1>
    %ge3A_207 = arith.constant 0.000000e+00 : f32
    %ge3A_208 = vector.broadcast %ge3A_207 : f32 to vector<16xf32>
    %ge3A_209 = arith.cmpf oge, %add3A_198, %ge3A_208 : vector<16xf32>
    %and3A_210 = arith.andi %and3A_206, %ge3A_209 : vector<16xi1>
    %ge3A_211 = arith.constant 0.000000e+00 : f32
    %ge3A_212 = vector.broadcast %ge3A_211 : f32 to vector<16xf32>
    %ge3A_213 = arith.cmpf oge, %sub3A_199, %ge3A_212 : vector<16xf32>
    %and3A_214 = arith.andi %and3A_210, %ge3A_213 : vector<16xi1>
    %get3A_215 = arith.constant 816 : index
    %get3A_216 = tpu.vector_load %arg4[%get3A_215] {strides = array<i32>} : memref<2128xf32, #tpu.memory_space<vmem>>, vector<16xf32>,
    %get3A_217 = vector.shape_cast %get3A_216 : vector<16xf32> to vector<16xf32>
    %get3A_218 = arith.constant 1152 : index
    %get3A_219 = tpu.vector_load %arg4[%get3A_218] {strides = array<i32>} : memref<2128xf32, #tpu.memory_space<vmem>>, vector<16xf32>,
    %get3A_220 = vector.shape_cast %get3A_219 : vector<16xf32> to vector<16xf32>
    %get3A_221 = arith.constant 1488 : index
    %get3A_222 = tpu.vector_load %arg4[%get3A_221] {strides = array<i32>} : memref<2128xf32, #tpu.memory_space<vmem>>, vector<16xf32>,
    %get3A_223 = vector.shape_cast %get3A_222 : vector<16xf32> to vector<16xf32>
    %get3A_224 = arith.constant 1824 : index
    %get3A_225 = tpu.vector_load %arg4[%get3A_224] {strides = array<i32>} : memref<2128xf32, #tpu.memory_space<vmem>>, vector<16xf32>,
    %get3A_226 = vector.shape_cast %get3A_225 : vector<16xf32> to vector<16xf32>
    %add3A_227 = arith.addf %add3A_196, %sub3A_197 : vector<16xf32>
    %add3A_228 = arith.addf %add3A_198, %sub3A_199 : vector<16xf32>
    %mul3A_229 = arith.mulf %add3A_227, %add3A_228 : vector<16xf32>
    %add3A_230 = arith.addf %get3A_217, %get3A_220 : vector<16xf32>
    %add3A_231 = arith.addf %get3A_223, %get3A_226 : vector<16xf32>
    %mul3A_232 = arith.mulf %add3A_230, %add3A_231 : vector<16xf32>
    %min3A_233 = arith.minimumf %get3A_217, %add3A_196 : vector<16xf32>
    %min3A_234 = arith.minimumf %get3A_220, %sub3A_197 : vector<16xf32>
    %add3A_235 = arith.addf %min3A_233, %min3A_234 : vector<16xf32>
    %min3A_236 = arith.minimumf %get3A_226, %sub3A_199 : vector<16xf32>
    %min3A_237 = arith.minimumf %get3A_223, %add3A_198 : vector<16xf32>
    %add3A_238 = arith.addf %min3A_236, %min3A_237 : vector<16xf32>
    %mul3A_239 = arith.mulf %add3A_235, %add3A_238 : vector<16xf32>
    %add3A_240 = arith.addf %mul3A_229, %mul3A_232 : vector<16xf32>
    %sub3A_241 = arith.subf %add3A_240, %mul3A_239 : vector<16xf32>
    %add3A_242 = arith.constant 1.000000e+00 : f32
    %add3A_243 = vector.broadcast %add3A_242 : f32 to vector<16xf32>
    %add3A_244 = arith.addf %mul3A_239, %add3A_243 : vector<16xf32>
    %add3A_245 = arith.constant 1.000000e+00 : f32
    %add3A_246 = vector.broadcast %add3A_245 : f32 to vector<16xf32>
    %add3A_247 = arith.addf %sub3A_241, %add3A_246 : vector<16xf32>
    %div3A_248 = arith.divf %add3A_244, %add3A_247 : vector<16xf32>
    %and3A_249 = arith.andi %and3A_195, %and3A_214 : vector<16xi1>
    %jit3A_250 = arith.constant 0.000000e+00 : f32
    %broadcast_in_dim3A_251 = vector.broadcast %jit3A_250 : f32 to vector<16xf32>
    %select_n3A_252 = arith.select %and3A_249, %div3A_248, %broadcast_in_dim3A_251 : vector<16xi1>, vector<16xf32>
    %swap3A_253 = arith.constant 32 : index
    %swap3A_254 = tpu.vector_load %arg5[%swap3A_253] {strides = array<i32>} : memref<336xf32, #tpu.memory_space<vmem>>, vector<16xf32>,
    %swap3A_255 = vector.shape_cast %swap3A_254 : vector<16xf32> to vector<16xf32>
    %swap3A_256 = vector.shape_cast %select_n3A_252 : vector<16xf32> to vector<16xf32>
    tpu.vector_store %arg5[%swap3A_253], %swap3A_256 {strides = array<i32>} : memref<336xf32, #tpu.memory_space<vmem>>, vector<16xf32>,
    %get3A_257 = arith.constant 160 : index
    %get3A_258 = tpu.vector_load %arg4[%get3A_257] {strides = array<i32>} : memref<2128xf32, #tpu.memory_space<vmem>>, vector<16xf32>,
    %get3A_259 = vector.shape_cast %get3A_258 : vector<16xf32> to vector<16xf32>
    %get3A_260 = arith.constant 496 : index
    %get3A_261 = tpu.vector_load %arg4[%get3A_260] {strides = array<i32>} : memref<2128xf32, #tpu.memory_space<vmem>>, vector<16xf32>,
    %get3A_262 = vector.shape_cast %get3A_261 : vector<16xf32> to vector<16xf32>
    %sub3A_263 = arith.subf %get3A_259, %get3A_4 : vector<16xf32>
    %sub3A_264 = arith.subf %get3A_262, %get3A_7 : vector<16xf32>
    %abs3A_265 = math.absf %sub3A_263 : vector<16xf32>
    %abs3A_266 = math.absf %sub3A_264 : vector<16xf32>
    %le3A_267 = arith.constant 1.000000e+01 : f32
    %le3A_268 = vector.broadcast %le3A_267 : f32 to vector<16xf32>
    %le3A_269 = arith.cmpf ole, %abs3A_265, %le3A_268 : vector<16xf32>
    %le3A_270 = arith.constant 1.000000e+01 : f32
    %le3A_271 = vector.broadcast %le3A_270 : f32 to vector<16xf32>
    %le3A_272 = arith.cmpf ole, %abs3A_266, %le3A_271 : vector<16xf32>
    %and3A_273 = arith.andi %le3A_269, %le3A_272 : vector<16xi1>
    %le3A_274 = arith.cmpf ole, %abs3A_265, %get3A_10 : vector<16xf32>
    %and3A_275 = arith.andi %and3A_273, %le3A_274 : vector<16xi1>
    %le3A_276 = arith.cmpf ole, %abs3A_266, %get3A_10 : vector<16xf32>
    %and3A_277 = arith.andi %and3A_275, %le3A_276 : vector<16xi1>
    %add3A_278 = arith.addf %get3A_13, %sub3A_264 : vector<16xf32>
    %sub3A_279 = arith.subf %get3A_16, %sub3A_264 : vector<16xf32>
    %add3A_280 = arith.addf %get3A_19, %sub3A_263 : vector<16xf32>
    %sub3A_281 = arith.subf %get3A_22, %sub3A_263 : vector<16xf32>
    %ge3A_282 = arith.constant 0.000000e+00 : f32
    %ge3A_283 = vector.broadcast %ge3A_282 : f32 to vector<16xf32>
    %ge3A_284 = arith.cmpf oge, %add3A_278, %ge3A_283 : vector<16xf32>
    %ge3A_285 = arith.constant 0.000000e+00 : f32
    %ge3A_286 = vector.broadcast %ge3A_285 : f32 to vector<16xf32>
    %ge3A_287 = arith.cmpf oge, %sub3A_279, %ge3A_286 : vector<16xf32>
    %and3A_288 = arith.andi %ge3A_284, %ge3A_287 : vector<16xi1>
    %ge3A_289 = arith.constant 0.000000e+00 : f32
    %ge3A_290 = vector.broadcast %ge3A_289 : f32 to vector<16xf32>
    %ge3A_291 = arith.cmpf oge, %add3A_280, %ge3A_290 : vector<16xf32>
    %and3A_292 = arith.andi %and3A_288, %ge3A_291 : vector<16xi1>
    %ge3A_293 = arith.constant 0.000000e+00 : f32
    %ge3A_294 = vector.broadcast %ge3A_293 : f32 to vector<16xf32>
    %ge3A_295 = arith.cmpf oge, %sub3A_281, %ge3A_294 : vector<16xf32>
    %and3A_296 = arith.andi %and3A_292, %ge3A_295 : vector<16xi1>
    %get3A_297 = arith.constant 832 : index
    %get3A_298 = tpu.vector_load %arg4[%get3A_297] {strides = array<i32>} : memref<2128xf32, #tpu.memory_space<vmem>>, vector<16xf32>,
    %get3A_299 = vector.shape_cast %get3A_298 : vector<16xf32> to vector<16xf32>
    %get3A_300 = arith.constant 1168 : index
    %get3A_301 = tpu.vector_load %arg4[%get3A_300] {strides = array<i32>} : memref<2128xf32, #tpu.memory_space<vmem>>, vector<16xf32>,
    %get3A_302 = vector.shape_cast %get3A_301 : vector<16xf32> to vector<16xf32>
    %get3A_303 = arith.constant 1504 : index
    %get3A_304 = tpu.vector_load %arg4[%get3A_303] {strides = array<i32>} : memref<2128xf32, #tpu.memory_space<vmem>>, vector<16xf32>,
    %get3A_305 = vector.shape_cast %get3A_304 : vector<16xf32> to vector<16xf32>
    %get3A_306 = arith.constant 1840 : index
    %get3A_307 = tpu.vector_load %arg4[%get3A_306] {strides = array<i32>} : memref<2128xf32, #tpu.memory_space<vmem>>, vector<16xf32>,
    %get3A_308 = vector.shape_cast %get3A_307 : vector<16xf32> to vector<16xf32>
    %add3A_309 = arith.addf %add3A_278, %sub3A_279 : vector<16xf32>
    %add3A_310 = arith.addf %add3A_280, %sub3A_281 : vector<16xf32>
    %mul3A_311 = arith.mulf %add3A_309, %add3A_310 : vector<16xf32>
    %add3A_312 = arith.addf %get3A_299, %get3A_302 : vector<16xf32>
    %add3A_313 = arith.addf %get3A_305, %get3A_308 : vector<16xf32>
    %mul3A_314 = arith.mulf %add3A_312, %add3A_313 : vector<16xf32>
    %min3A_315 = arith.minimumf %get3A_299, %add3A_278 : vector<16xf32>
    %min3A_316 = arith.minimumf %get3A_302, %sub3A_279 : vector<16xf32>
    %add3A_317 = arith.addf %min3A_315, %min3A_316 : vector<16xf32>
    %min3A_318 = arith.minimumf %get3A_308, %sub3A_281 : vector<16xf32>
    %min3A_319 = arith.minimumf %get3A_305, %add3A_280 : vector<16xf32>
    %add3A_320 = arith.addf %min3A_318, %min3A_319 : vector<16xf32>
    %mul3A_321 = arith.mulf %add3A_317, %add3A_320 : vector<16xf32>
    %add3A_322 = arith.addf %mul3A_311, %mul3A_314 : vector<16xf32>
    %sub3A_323 = arith.subf %add3A_322, %mul3A_321 : vector<16xf32>
    %add3A_324 = arith.constant 1.000000e+00 : f32
    %add3A_325 = vector.broadcast %add3A_324 : f32 to vector<16xf32>
    %add3A_326 = arith.addf %mul3A_321, %add3A_325 : vector<16xf32>
    %add3A_327 = arith.constant 1.000000e+00 : f32
    %add3A_328 = vector.broadcast %add3A_327 : f32 to vector<16xf32>
    %add3A_329 = arith.addf %sub3A_323, %add3A_328 : vector<16xf32>
    %div3A_330 = arith.divf %add3A_326, %add3A_329 : vector<16xf32>
    %and3A_331 = arith.andi %and3A_277, %and3A_296 : vector<16xi1>
    %jit3A_332 = arith.constant 0.000000e+00 : f32
    %broadcast_in_dim3A_333 = vector.broadcast %jit3A_332 : f32 to vector<16xf32>
    %select_n3A_334 = arith.select %and3A_331, %div3A_330, %broadcast_in_dim3A_333 : vector<16xi1>, vector<16xf32>
    %swap3A_335 = arith.constant 48 : index
    %swap3A_336 = tpu.vector_load %arg5[%swap3A_335] {strides = array<i32>} : memref<336xf32, #tpu.memory_space<vmem>>, vector<16xf32>,
    %swap3A_337 = vector.shape_cast %swap3A_336 : vector<16xf32> to vector<16xf32>
    %swap3A_338 = vector.shape_cast %select_n3A_334 : vector<16xf32> to vector<16xf32>
    tpu.vector_store %arg5[%swap3A_335], %swap3A_338 {strides = array<i32>} : memref<336xf32, #tpu.memory_space<vmem>>, vector<16xf32>,
    %get3A_339 = arith.constant 176 : index
    %get3A_340 = tpu.vector_load %arg4[%get3A_339] {strides = array<i32>} : memref<2128xf32, #tpu.memory_space<vmem>>, vector<16xf32>,
    %get3A_341 = vector.shape_cast %get3A_340 : vector<16xf32> to vector<16xf32>
    %get3A_342 = arith.constant 512 : index
    %get3A_343 = tpu.vector_load %arg4[%get3A_342] {strides = array<i32>} : memref<2128xf32, #tpu.memory_space<vmem>>, vector<16xf32>,
    %get3A_344 = vector.shape_cast %get3A_343 : vector<16xf32> to vector<16xf32>
    %sub3A_345 = arith.subf %get3A_341, %get3A_4 : vector<16xf32>
    %sub3A_346 = arith.subf %get3A_344, %get3A_7 : vector<16xf32>
    %abs3A_347 = math.absf %sub3A_345 : vector<16xf32>
    %abs3A_348 = math.absf %sub3A_346 : vector<16xf32>
    %le3A_349 = arith.constant 1.000000e+01 : f32
    %le3A_350 = vector.broadcast %le3A_349 : f32 to vector<16xf32>
    %le3A_351 = arith.cmpf ole, %abs3A_347, %le3A_350 : vector<16xf32>
    %le3A_352 = arith.constant 1.000000e+01 : f32
    %le3A_353 = vector.broadcast %le3A_352 : f32 to vector<16xf32>
    %le3A_354 = arith.cmpf ole, %abs3A_348, %le3A_353 : vector<16xf32>
    %and3A_355 = arith.andi %le3A_351, %le3A_354 : vector<16xi1>
    %le3A_356 = arith.cmpf ole, %abs3A_347, %get3A_10 : vector<16xf32>
    %and3A_357 = arith.andi %and3A_355, %le3A_356 : vector<16xi1>
    %le3A_358 = arith.cmpf ole, %abs3A_348, %get3A_10 : vector<16xf32>
    %and3A_359 = arith.andi %and3A_357, %le3A_358 : vector<16xi1>
    %add3A_360 = arith.addf %get3A_13, %sub3A_346 : vector<16xf32>
    %sub3A_361 = arith.subf %get3A_16, %sub3A_346 : vector<16xf32>
    %add3A_362 = arith.addf %get3A_19, %sub3A_345 : vector<16xf32>
    %sub3A_363 = arith.subf %get3A_22, %sub3A_345 : vector<16xf32>
    %ge3A_364 = arith.constant 0.000000e+00 : f32
    %ge3A_365 = vector.broadcast %ge3A_364 : f32 to vector<16xf32>
    %ge3A_366 = arith.cmpf oge, %add3A_360, %ge3A_365 : vector<16xf32>
    %ge3A_367 = arith.constant 0.000000e+00 : f32
    %ge3A_368 = vector.broadcast %ge3A_367 : f32 to vector<16xf32>
    %ge3A_369 = arith.cmpf oge, %sub3A_361, %ge3A_368 : vector<16xf32>
    %and3A_370 = arith.andi %ge3A_366, %ge3A_369 : vector<16xi1>
    %ge3A_371 = arith.constant 0.000000e+00 : f32
    %ge3A_372 = vector.broadcast %ge3A_371 : f32 to vector<16xf32>
    %ge3A_373 = arith.cmpf oge, %add3A_362, %ge3A_372 : vector<16xf32>
    %and3A_374 = arith.andi %and3A_370, %ge3A_373 : vector<16xi1>
    %ge3A_375 = arith.constant 0.000000e+00 : f32
    %ge3A_376 = vector.broadcast %ge3A_375 : f32 to vector<16xf32>
    %ge3A_377 = arith.cmpf oge, %sub3A_363, %ge3A_376 : vector<16xf32>
    %and3A_378 = arith.andi %and3A_374, %ge3A_377 : vector<16xi1>
    %get3A_379 = arith.constant 848 : index
    %get3A_380 = tpu.vector_load %arg4[%get3A_379] {strides = array<i32>} : memref<2128xf32, #tpu.memory_space<vmem>>, vector<16xf32>,
    %get3A_381 = vector.shape_cast %get3A_380 : vector<16xf32> to vector<16xf32>
    %get3A_382 = arith.constant 1184 : index
    %get3A_383 = tpu.vector_load %arg4[%get3A_382] {strides = array<i32>} : memref<2128xf32, #tpu.memory_space<vmem>>, vector<16xf32>,
    %get3A_384 = vector.shape_cast %get3A_383 : vector<16xf32> to vector<16xf32>
    %get3A_385 = arith.constant 1520 : index
    %get3A_386 = tpu.vector_load %arg4[%get3A_385] {strides = array<i32>} : memref<2128xf32, #tpu.memory_space<vmem>>, vector<16xf32>,
    %get3A_387 = vector.shape_cast %get3A_386 : vector<16xf32> to vector<16xf32>
    %get3A_388 = arith.constant 1856 : index
    %get3A_389 = tpu.vector_load %arg4[%get3A_388] {strides = array<i32>} : memref<2128xf32, #tpu.memory_space<vmem>>, vector<16xf32>,
    %get3A_390 = vector.shape_cast %get3A_389 : vector<16xf32> to vector<16xf32>
    %add3A_391 = arith.addf %add3A_360, %sub3A_361 : vector<16xf32>
    %add3A_392 = arith.addf %add3A_362, %sub3A_363 : vector<16xf32>
    %mul3A_393 = arith.mulf %add3A_391, %add3A_392 : vector<16xf32>
    %add3A_394 = arith.addf %get3A_381, %get3A_384 : vector<16xf32>
    %add3A_395 = arith.addf %get3A_387, %get3A_390 : vector<16xf32>
    %mul3A_396 = arith.mulf %add3A_394, %add3A_395 : vector<16xf32>
    %min3A_397 = arith.minimumf %get3A_381, %add3A_360 : vector<16xf32>
    %min3A_398 = arith.minimumf %get3A_384, %sub3A_361 : vector<16xf32>
    %add3A_399 = arith.addf %min3A_397, %min3A_398 : vector<16xf32>
    %min3A_400 = arith.minimumf %get3A_390, %sub3A_363 : vector<16xf32>
    %min3A_401 = arith.minimumf %get3A_387, %add3A_362 : vector<16xf32>
    %add3A_402 = arith.addf %min3A_400, %min3A_401 : vector<16xf32>
    %mul3A_403 = arith.mulf %add3A_399, %add3A_402 : vector<16xf32>
    %add3A_404 = arith.addf %mul3A_393, %mul3A_396 : vector<16xf32>
    %sub3A_405 = arith.subf %add3A_404, %mul3A_403 : vector<16xf32>
    %add3A_406 = arith.constant 1.000000e+00 : f32
    %add3A_407 = vector.broadcast %add3A_406 : f32 to vector<16xf32>
    %add3A_408 = arith.addf %mul3A_403, %add3A_407 : vector<16xf32>
    %add3A_409 = arith.constant 1.000000e+00 : f32
    %add3A_410 = vector.broadcast %add3A_409 : f32 to vector<16xf32>
    %add3A_411 = arith.addf %sub3A_405, %add3A_410 : vector<16xf32>
    %div3A_412 = arith.divf %add3A_408, %add3A_411 : vector<16xf32>
    %and3A_413 = arith.andi %and3A_359, %and3A_378 : vector<16xi1>
    %jit3A_414 = arith.constant 0.000000e+00 : f32
    %broadcast_in_dim3A_415 = vector.broadcast %jit3A_414 : f32 to vector<16xf32>
    %select_n3A_416 = arith.select %and3A_413, %div3A_412, %broadcast_in_dim3A_415 : vector<16xi1>, vector<16xf32>
    %swap3A_417 = arith.constant 64 : index
    %swap3A_418 = tpu.vector_load %arg5[%swap3A_417] {strides = array<i32>} : memref<336xf32, #tpu.memory_space<vmem>>, vector<16xf32>,
    %swap3A_419 = vector.shape_cast %swap3A_418 : vector<16xf32> to vector<16xf32>
    %swap3A_420 = vector.shape_cast %select_n3A_416 : vector<16xf32> to vector<16xf32>
    tpu.vector_store %arg5[%swap3A_417], %swap3A_420 {strides = array<i32>} : memref<336xf32, #tpu.memory_space<vmem>>, vector<16xf32>,
    %get3A_421 = arith.constant 192 : index
    %get3A_422 = tpu.vector_load %arg4[%get3A_421] {strides = array<i32>} : memref<2128xf32, #tpu.memory_space<vmem>>, vector<16xf32>,
    %get3A_423 = vector.shape_cast %get3A_422 : vector<16xf32> to vector<16xf32>
    %get3A_424 = arith.constant 528 : index
    %get3A_425 = tpu.vector_load %arg4[%get3A_424] {strides = array<i32>} : memref<2128xf32, #tpu.memory_space<vmem>>, vector<16xf32>,
    %get3A_426 = vector.shape_cast %get3A_425 : vector<16xf32> to vector<16xf32>
    %sub3A_427 = arith.subf %get3A_423, %get3A_4 : vector<16xf32>
    %sub3A_428 = arith.subf %get3A_426, %get3A_7 : vector<16xf32>
    %abs3A_429 = math.absf %sub3A_427 : vector<16xf32>
    %abs3A_430 = math.absf %sub3A_428 : vector<16xf32>
    %le3A_431 = arith.constant 1.000000e+01 : f32
    %le3A_432 = vector.broadcast %le3A_431 : f32 to vector<16xf32>
    %le3A_433 = arith.cmpf ole, %abs3A_429, %le3A_432 : vector<16xf32>
    %le3A_434 = arith.constant 1.000000e+01 : f32
    %le3A_435 = vector.broadcast %le3A_434 : f32 to vector<16xf32>
    %le3A_436 = arith.cmpf ole, %abs3A_430, %le3A_435 : vector<16xf32>
    %and3A_437 = arith.andi %le3A_433, %le3A_436 : vector<16xi1>
    %le3A_438 = arith.cmpf ole, %abs3A_429, %get3A_10 : vector<16xf32>
    %and3A_439 = arith.andi %and3A_437, %le3A_438 : vector<16xi1>
    %le3A_440 = arith.cmpf ole, %abs3A_430, %get3A_10 : vector<16xf32>
    %and3A_441 = arith.andi %and3A_439, %le3A_440 : vector<16xi1>
    %add3A_442 = arith.addf %get3A_13, %sub3A_428 : vector<16xf32>
    %sub3A_443 = arith.subf %get3A_16, %sub3A_428 : vector<16xf32>
    %add3A_444 = arith.addf %get3A_19, %sub3A_427 : vector<16xf32>
    %sub3A_445 = arith.subf %get3A_22, %sub3A_427 : vector<16xf32>
    %ge3A_446 = arith.constant 0.000000e+00 : f32
    %ge3A_447 = vector.broadcast %ge3A_446 : f32 to vector<16xf32>
    %ge3A_448 = arith.cmpf oge, %add3A_442, %ge3A_447 : vector<16xf32>
    %ge3A_449 = arith.constant 0.000000e+00 : f32
    %ge3A_450 = vector.broadcast %ge3A_449 : f32 to vector<16xf32>
    %ge3A_451 = arith.cmpf oge, %sub3A_443, %ge3A_450 : vector<16xf32>
    %and3A_452 = arith.andi %ge3A_448, %ge3A_451 : vector<16xi1>
    %ge3A_453 = arith.constant 0.000000e+00 : f32
    %ge3A_454 = vector.broadcast %ge3A_453 : f32 to vector<16xf32>
    %ge3A_455 = arith.cmpf oge, %add3A_444, %ge3A_454 : vector<16xf32>
    %and3A_456 = arith.andi %and3A_452, %ge3A_455 : vector<16xi1>
    %ge3A_457 = arith.constant 0.000000e+00 : f32
    %ge3A_458 = vector.broadcast %ge3A_457 : f32 to vector<16xf32>
    %ge3A_459 = arith.cmpf oge, %sub3A_445, %ge3A_458 : vector<16xf32>
    %and3A_460 = arith.andi %and3A_456, %ge3A_459 : vector<16xi1>
    %get3A_461 = arith.constant 864 : index
    %get3A_462 = tpu.vector_load %arg4[%get3A_461] {strides = array<i32>} : memref<2128xf32, #tpu.memory_space<vmem>>, vector<16xf32>,
    %get3A_463 = vector.shape_cast %get3A_462 : vector<16xf32> to vector<16xf32>
    %get3A_464 = arith.constant 1200 : index
    %get3A_465 = tpu.vector_load %arg4[%get3A_464] {strides = array<i32>} : memref<2128xf32, #tpu.memory_space<vmem>>, vector<16xf32>,
    %get3A_466 = vector.shape_cast %get3A_465 : vector<16xf32> to vector<16xf32>
    %get3A_467 = arith.constant 1536 : index
    %get3A_468 = tpu.vector_load %arg4[%get3A_467] {strides = array<i32>} : memref<2128xf32, #tpu.memory_space<vmem>>, vector<16xf32>,
    %get3A_469 = vector.shape_cast %get3A_468 : vector<16xf32> to vector<16xf32>
    %get3A_470 = arith.constant 1872 : index
    %get3A_471 = tpu.vector_load %arg4[%get3A_470] {strides = array<i32>} : memref<2128xf32, #tpu.memory_space<vmem>>, vector<16xf32>,
    %get3A_472 = vector.shape_cast %get3A_471 : vector<16xf32> to vector<16xf32>
    %add3A_473 = arith.addf %add3A_442, %sub3A_443 : vector<16xf32>
    %add3A_474 = arith.addf %add3A_444, %sub3A_445 : vector<16xf32>
    %mul3A_475 = arith.mulf %add3A_473, %add3A_474 : vector<16xf32>
    %add3A_476 = arith.addf %get3A_463, %get3A_466 : vector<16xf32>
    %add3A_477 = arith.addf %get3A_469, %get3A_472 : vector<16xf32>
    %mul3A_478 = arith.mulf %add3A_476, %add3A_477 : vector<16xf32>
    %min3A_479 = arith.minimumf %get3A_463, %add3A_442 : vector<16xf32>
    %min3A_480 = arith.minimumf %get3A_466, %sub3A_443 : vector<16xf32>
    %add3A_481 = arith.addf %min3A_479, %min3A_480 : vector<16xf32>
    %min3A_482 = arith.minimumf %get3A_472, %sub3A_445 : vector<16xf32>
    %min3A_483 = arith.minimumf %get3A_469, %add3A_444 : vector<16xf32>
    %add3A_484 = arith.addf %min3A_482, %min3A_483 : vector<16xf32>
    %mul3A_485 = arith.mulf %add3A_481, %add3A_484 : vector<16xf32>
    %add3A_486 = arith.addf %mul3A_475, %mul3A_478 : vector<16xf32>
    %sub3A_487 = arith.subf %add3A_486, %mul3A_485 : vector<16xf32>
    %add3A_488 = arith.constant 1.000000e+00 : f32
    %add3A_489 = vector.broadcast %add3A_488 : f32 to vector<16xf32>
    %add3A_490 = arith.addf %mul3A_485, %add3A_489 : vector<16xf32>
    %add3A_491 = arith.constant 1.000000e+00 : f32
    %add3A_492 = vector.broadcast %add3A_491 : f32 to vector<16xf32>
    %add3A_493 = arith.addf %sub3A_487, %add3A_492 : vector<16xf32>
    %div3A_494 = arith.divf %add3A_490, %add3A_493 : vector<16xf32>
    %and3A_495 = arith.andi %and3A_441, %and3A_460 : vector<16xi1>
    %jit3A_496 = arith.constant 0.000000e+00 : f32
    %broadcast_in_dim3A_497 = vector.broadcast %jit3A_496 : f32 to vector<16xf32>
    %select_n3A_498 = arith.select %and3A_495, %div3A_494, %broadcast_in_dim3A_497 : vector<16xi1>, vector<16xf32>
    %swap3A_499 = arith.constant 80 : index
    %swap3A_500 = tpu.vector_load %arg5[%swap3A_499] {strides = array<i32>} : memref<336xf32, #tpu.memory_space<vmem>>, vector<16xf32>,
    %swap3A_501 = vector.shape_cast %swap3A_500 : vector<16xf32> to vector<16xf32>
    %swap3A_502 = vector.shape_cast %select_n3A_498 : vector<16xf32> to vector<16xf32>
    tpu.vector_store %arg5[%swap3A_499], %swap3A_502 {strides = array<i32>} : memref<336xf32, #tpu.memory_space<vmem>>, vector<16xf32>,
    %get3A_503 = arith.constant 208 : index
    %get3A_504 = tpu.vector_load %arg4[%get3A_503] {strides = array<i32>} : memref<2128xf32, #tpu.memory_space<vmem>>, vector<16xf32>,
    %get3A_505 = vector.shape_cast %get3A_504 : vector<16xf32> to vector<16xf32>
    %get3A_506 = arith.constant 544 : index
    %get3A_507 = tpu.vector_load %arg4[%get3A_506] {strides = array<i32>} : memref<2128xf32, #tpu.memory_space<vmem>>, vector<16xf32>,
    %get3A_508 = vector.shape_cast %get3A_507 : vector<16xf32> to vector<16xf32>
    %sub3A_509 = arith.subf %get3A_505, %get3A_4 : vector<16xf32>
    %sub3A_510 = arith.subf %get3A_508, %get3A_7 : vector<16xf32>
    %abs3A_511 = math.absf %sub3A_509 : vector<16xf32>
    %abs3A_512 = math.absf %sub3A_510 : vector<16xf32>
    %le3A_513 = arith.constant 1.000000e+01 : f32
    %le3A_514 = vector.broadcast %le3A_513 : f32 to vector<16xf32>
    %le3A_515 = arith.cmpf ole, %abs3A_511, %le3A_514 : vector<16xf32>
    %le3A_516 = arith.constant 1.000000e+01 : f32
    %le3A_517 = vector.broadcast %le3A_516 : f32 to vector<16xf32>
    %le3A_518 = arith.cmpf ole, %abs3A_512, %le3A_517 : vector<16xf32>
    %and3A_519 = arith.andi %le3A_515, %le3A_518 : vector<16xi1>
    %le3A_520 = arith.cmpf ole, %abs3A_511, %get3A_10 : vector<16xf32>
    %and3A_521 = arith.andi %and3A_519, %le3A_520 : vector<16xi1>
    %le3A_522 = arith.cmpf ole, %abs3A_512, %get3A_10 : vector<16xf32>
    %and3A_523 = arith.andi %and3A_521, %le3A_522 : vector<16xi1>
    %add3A_524 = arith.addf %get3A_13, %sub3A_510 : vector<16xf32>
    %sub3A_525 = arith.subf %get3A_16, %sub3A_510 : vector<16xf32>
    %add3A_526 = arith.addf %get3A_19, %sub3A_509 : vector<16xf32>
    %sub3A_527 = arith.subf %get3A_22, %sub3A_509 : vector<16xf32>
    %ge3A_528 = arith.constant 0.000000e+00 : f32
    %ge3A_529 = vector.broadcast %ge3A_528 : f32 to vector<16xf32>
    %ge3A_530 = arith.cmpf oge, %add3A_524, %ge3A_529 : vector<16xf32>
    %ge3A_531 = arith.constant 0.000000e+00 : f32
    %ge3A_532 = vector.broadcast %ge3A_531 : f32 to vector<16xf32>
    %ge3A_533 = arith.cmpf oge, %sub3A_525, %ge3A_532 : vector<16xf32>
    %and3A_534 = arith.andi %ge3A_530, %ge3A_533 : vector<16xi1>
    %ge3A_535 = arith.constant 0.000000e+00 : f32
    %ge3A_536 = vector.broadcast %ge3A_535 : f32 to vector<16xf32>
    %ge3A_537 = arith.cmpf oge, %add3A_526, %ge3A_536 : vector<16xf32>
    %and3A_538 = arith.andi %and3A_534, %ge3A_537 : vector<16xi1>
    %ge3A_539 = arith.constant 0.000000e+00 : f32
    %ge3A_540 = vector.broadcast %ge3A_539 : f32 to vector<16xf32>
    %ge3A_541 = arith.cmpf oge, %sub3A_527, %ge3A_540 : vector<16xf32>
    %and3A_542 = arith.andi %and3A_538, %ge3A_541 : vector<16xi1>
    %get3A_543 = arith.constant 880 : index
    %get3A_544 = tpu.vector_load %arg4[%get3A_543] {strides = array<i32>} : memref<2128xf32, #tpu.memory_space<vmem>>, vector<16xf32>,
    %get3A_545 = vector.shape_cast %get3A_544 : vector<16xf32> to vector<16xf32>
    %get3A_546 = arith.constant 1216 : index
    %get3A_547 = tpu.vector_load %arg4[%get3A_546] {strides = array<i32>} : memref<2128xf32, #tpu.memory_space<vmem>>, vector<16xf32>,
    %get3A_548 = vector.shape_cast %get3A_547 : vector<16xf32> to vector<16xf32>
    %get3A_549 = arith.constant 1552 : index
    %get3A_550 = tpu.vector_load %arg4[%get3A_549] {strides = array<i32>} : memref<2128xf32, #tpu.memory_space<vmem>>, vector<16xf32>,
    %get3A_551 = vector.shape_cast %get3A_550 : vector<16xf32> to vector<16xf32>
    %get3A_552 = arith.constant 1888 : index
    %get3A_553 = tpu.vector_load %arg4[%get3A_552] {strides = array<i32>} : memref<2128xf32, #tpu.memory_space<vmem>>, vector<16xf32>,
    %get3A_554 = vector.shape_cast %get3A_553 : vector<16xf32> to vector<16xf32>
    %add3A_555 = arith.addf %add3A_524, %sub3A_525 : vector<16xf32>
    %add3A_556 = arith.addf %add3A_526, %sub3A_527 : vector<16xf32>
    %mul3A_557 = arith.mulf %add3A_555, %add3A_556 : vector<16xf32>
    %add3A_558 = arith.addf %get3A_545, %get3A_548 : vector<16xf32>
    %add3A_559 = arith.addf %get3A_551, %get3A_554 : vector<16xf32>
    %mul3A_560 = arith.mulf %add3A_558, %add3A_559 : vector<16xf32>
    %min3A_561 = arith.minimumf %get3A_545, %add3A_524 : vector<16xf32>
    %min3A_562 = arith.minimumf %get3A_548, %sub3A_525 : vector<16xf32>
    %add3A_563 = arith.addf %min3A_561, %min3A_562 : vector<16xf32>
    %min3A_564 = arith.minimumf %get3A_554, %sub3A_527 : vector<16xf32>
    %min3A_565 = arith.minimumf %get3A_551, %add3A_526 : vector<16xf32>
    %add3A_566 = arith.addf %min3A_564, %min3A_565 : vector<16xf32>
    %mul3A_567 = arith.mulf %add3A_563, %add3A_566 : vector<16xf32>
    %add3A_568 = arith.addf %mul3A_557, %mul3A_560 : vector<16xf32>
    %sub3A_569 = arith.subf %add3A_568, %mul3A_567 : vector<16xf32>
    %add3A_570 = arith.constant 1.000000e+00 : f32
    %add3A_571 = vector.broadcast %add3A_570 : f32 to vector<16xf32>
    %add3A_572 = arith.addf %mul3A_567, %add3A_571 : vector<16xf32>
    %add3A_573 = arith.constant 1.000000e+00 : f32
    %add3A_574 = vector.broadcast %add3A_573 : f32 to vector<16xf32>
    %add3A_575 = arith.addf %sub3A_569, %add3A_574 : vector<16xf32>
    %div3A_576 = arith.divf %add3A_572, %add3A_575 : vector<16xf32>
    %and3A_577 = arith.andi %and3A_523, %and3A_542 : vector<16xi1>
    %jit3A_578 = arith.constant 0.000000e+00 : f32
    %broadcast_in_dim3A_579 = vector.broadcast %jit3A_578 : f32 to vector<16xf32>
    %select_n3A_580 = arith.select %and3A_577, %div3A_576, %broadcast_in_dim3A_579 : vector<16xi1>, vector<16xf32>
    %swap3A_581 = arith.constant 96 : index
    %swap3A_582 = tpu.vector_load %arg5[%swap3A_581] {strides = array<i32>} : memref<336xf32, #tpu.memory_space<vmem>>, vector<16xf32>,
    %swap3A_583 = vector.shape_cast %swap3A_582 : vector<16xf32> to vector<16xf32>
    %swap3A_584 = vector.shape_cast %select_n3A_580 : vector<16xf32> to vector<16xf32>
    tpu.vector_store %arg5[%swap3A_581], %swap3A_584 {strides = array<i32>} : memref<336xf32, #tpu.memory_space<vmem>>, vector<16xf32>,
    %get3A_585 = arith.constant 224 : index
    %get3A_586 = tpu.vector_load %arg4[%get3A_585] {strides = array<i32>} : memref<2128xf32, #tpu.memory_space<vmem>>, vector<16xf32>,
    %get3A_587 = vector.shape_cast %get3A_586 : vector<16xf32> to vector<16xf32>
    %get3A_588 = arith.constant 560 : index
    %get3A_589 = tpu.vector_load %arg4[%get3A_588] {strides = array<i32>} : memref<2128xf32, #tpu.memory_space<vmem>>, vector<16xf32>,
    %get3A_590 = vector.shape_cast %get3A_589 : vector<16xf32> to vector<16xf32>
    %sub3A_591 = arith.subf %get3A_587, %get3A_4 : vector<16xf32>
    %sub3A_592 = arith.subf %get3A_590, %get3A_7 : vector<16xf32>
    %abs3A_593 = math.absf %sub3A_591 : vector<16xf32>
    %abs3A_594 = math.absf %sub3A_592 : vector<16xf32>
    %le3A_595 = arith.constant 1.000000e+01 : f32
    %le3A_596 = vector.broadcast %le3A_595 : f32 to vector<16xf32>
    %le3A_597 = arith.cmpf ole, %abs3A_593, %le3A_596 : vector<16xf32>
    %le3A_598 = arith.constant 1.000000e+01 : f32
    %le3A_599 = vector.broadcast %le3A_598 : f32 to vector<16xf32>
    %le3A_600 = arith.cmpf ole, %abs3A_594, %le3A_599 : vector<16xf32>
    %and3A_601 = arith.andi %le3A_597, %le3A_600 : vector<16xi1>
    %le3A_602 = arith.cmpf ole, %abs3A_593, %get3A_10 : vector<16xf32>
    %and3A_603 = arith.andi %and3A_601, %le3A_602 : vector<16xi1>
    %le3A_604 = arith.cmpf ole, %abs3A_594, %get3A_10 : vector<16xf32>
    %and3A_605 = arith.andi %and3A_603, %le3A_604 : vector<16xi1>
    %add3A_606 = arith.addf %get3A_13, %sub3A_592 : vector<16xf32>
    %sub3A_607 = arith.subf %get3A_16, %sub3A_592 : vector<16xf32>
    %add3A_608 = arith.addf %get3A_19, %sub3A_591 : vector<16xf32>
    %sub3A_609 = arith.subf %get3A_22, %sub3A_591 : vector<16xf32>
    %ge3A_610 = arith.constant 0.000000e+00 : f32
    %ge3A_611 = vector.broadcast %ge3A_610 : f32 to vector<16xf32>
    %ge3A_612 = arith.cmpf oge, %add3A_606, %ge3A_611 : vector<16xf32>
    %ge3A_613 = arith.constant 0.000000e+00 : f32
    %ge3A_614 = vector.broadcast %ge3A_613 : f32 to vector<16xf32>
    %ge3A_615 = arith.cmpf oge, %sub3A_607, %ge3A_614 : vector<16xf32>
    %and3A_616 = arith.andi %ge3A_612, %ge3A_615 : vector<16xi1>
    %ge3A_617 = arith.constant 0.000000e+00 : f32
    %ge3A_618 = vector.broadcast %ge3A_617 : f32 to vector<16xf32>
    %ge3A_619 = arith.cmpf oge, %add3A_608, %ge3A_618 : vector<16xf32>
    %and3A_620 = arith.andi %and3A_616, %ge3A_619 : vector<16xi1>
    %ge3A_621 = arith.constant 0.000000e+00 : f32
    %ge3A_622 = vector.broadcast %ge3A_621 : f32 to vector<16xf32>
    %ge3A_623 = arith.cmpf oge, %sub3A_609, %ge3A_622 : vector<16xf32>
    %and3A_624 = arith.andi %and3A_620, %ge3A_623 : vector<16xi1>
    %get3A_625 = arith.constant 896 : index
    %get3A_626 = tpu.vector_load %arg4[%get3A_625] {strides = array<i32>} : memref<2128xf32, #tpu.memory_space<vmem>>, vector<16xf32>,
    %get3A_627 = vector.shape_cast %get3A_626 : vector<16xf32> to vector<16xf32>
    %get3A_628 = arith.constant 1232 : index
    %get3A_629 = tpu.vector_load %arg4[%get3A_628] {strides = array<i32>} : memref<2128xf32, #tpu.memory_space<vmem>>, vector<16xf32>,
    %get3A_630 = vector.shape_cast %get3A_629 : vector<16xf32> to vector<16xf32>
    %get3A_631 = arith.constant 1568 : index
    %get3A_632 = tpu.vector_load %arg4[%get3A_631] {strides = array<i32>} : memref<2128xf32, #tpu.memory_space<vmem>>, vector<16xf32>,
    %get3A_633 = vector.shape_cast %get3A_632 : vector<16xf32> to vector<16xf32>
    %get3A_634 = arith.constant 1904 : index
    %get3A_635 = tpu.vector_load %arg4[%get3A_634] {strides = array<i32>} : memref<2128xf32, #tpu.memory_space<vmem>>, vector<16xf32>,
    %get3A_636 = vector.shape_cast %get3A_635 : vector<16xf32> to vector<16xf32>
    %add3A_637 = arith.addf %add3A_606, %sub3A_607 : vector<16xf32>
    %add3A_638 = arith.addf %add3A_608, %sub3A_609 : vector<16xf32>
    %mul3A_639 = arith.mulf %add3A_637, %add3A_638 : vector<16xf32>
    %add3A_640 = arith.addf %get3A_627, %get3A_630 : vector<16xf32>
    %add3A_641 = arith.addf %get3A_633, %get3A_636 : vector<16xf32>
    %mul3A_642 = arith.mulf %add3A_640, %add3A_641 : vector<16xf32>
    %min3A_643 = arith.minimumf %get3A_627, %add3A_606 : vector<16xf32>
    %min3A_644 = arith.minimumf %get3A_630, %sub3A_607 : vector<16xf32>
    %add3A_645 = arith.addf %min3A_643, %min3A_644 : vector<16xf32>
    %min3A_646 = arith.minimumf %get3A_636, %sub3A_609 : vector<16xf32>
    %min3A_647 = arith.minimumf %get3A_633, %add3A_608 : vector<16xf32>
    %add3A_648 = arith.addf %min3A_646, %min3A_647 : vector<16xf32>
    %mul3A_649 = arith.mulf %add3A_645, %add3A_648 : vector<16xf32>
    %add3A_650 = arith.addf %mul3A_639, %mul3A_642 : vector<16xf32>
    %sub3A_651 = arith.subf %add3A_650, %mul3A_649 : vector<16xf32>
    %add3A_652 = arith.constant 1.000000e+00 : f32
    %add3A_653 = vector.broadcast %add3A_652 : f32 to vector<16xf32>
    %add3A_654 = arith.addf %mul3A_649, %add3A_653 : vector<16xf32>
    %add3A_655 = arith.constant 1.000000e+00 : f32
    %add3A_656 = vector.broadcast %add3A_655 : f32 to vector<16xf32>
    %add3A_657 = arith.addf %sub3A_651, %add3A_656 : vector<16xf32>
    %div3A_658 = arith.divf %add3A_654, %add3A_657 : vector<16xf32>
    %and3A_659 = arith.andi %and3A_605, %and3A_624 : vector<16xi1>
    %jit3A_660 = arith.constant 0.000000e+00 : f32
    %broadcast_in_dim3A_661 = vector.broadcast %jit3A_660 : f32 to vector<16xf32>
    %select_n3A_662 = arith.select %and3A_659, %div3A_658, %broadcast_in_dim3A_661 : vector<16xi1>, vector<16xf32>
    %swap3A_663 = arith.constant 112 : index
    %swap3A_664 = tpu.vector_load %arg5[%swap3A_663] {strides = array<i32>} : memref<336xf32, #tpu.memory_space<vmem>>, vector<16xf32>,
    %swap3A_665 = vector.shape_cast %swap3A_664 : vector<16xf32> to vector<16xf32>
    %swap3A_666 = vector.shape_cast %select_n3A_662 : vector<16xf32> to vector<16xf32>
    tpu.vector_store %arg5[%swap3A_663], %swap3A_666 {strides = array<i32>} : memref<336xf32, #tpu.memory_space<vmem>>, vector<16xf32>,
    %get3A_667 = arith.constant 240 : index
    %get3A_668 = tpu.vector_load %arg4[%get3A_667] {strides = array<i32>} : memref<2128xf32, #tpu.memory_space<vmem>>, vector<16xf32>,
    %get3A_669 = vector.shape_cast %get3A_668 : vector<16xf32> to vector<16xf32>
    %get3A_670 = arith.constant 576 : index
    %get3A_671 = tpu.vector_load %arg4[%get3A_670] {strides = array<i32>} : memref<2128xf32, #tpu.memory_space<vmem>>, vector<16xf32>,
    %get3A_672 = vector.shape_cast %get3A_671 : vector<16xf32> to vector<16xf32>
    %sub3A_673 = arith.subf %get3A_669, %get3A_4 : vector<16xf32>
    %sub3A_674 = arith.subf %get3A_672, %get3A_7 : vector<16xf32>
    %abs3A_675 = math.absf %sub3A_673 : vector<16xf32>
    %abs3A_676 = math.absf %sub3A_674 : vector<16xf32>
    %le3A_677 = arith.constant 1.000000e+01 : f32
    %le3A_678 = vector.broadcast %le3A_677 : f32 to vector<16xf32>
    %le3A_679 = arith.cmpf ole, %abs3A_675, %le3A_678 : vector<16xf32>
    %le3A_680 = arith.constant 1.000000e+01 : f32
    %le3A_681 = vector.broadcast %le3A_680 : f32 to vector<16xf32>
    %le3A_682 = arith.cmpf ole, %abs3A_676, %le3A_681 : vector<16xf32>
    %and3A_683 = arith.andi %le3A_679, %le3A_682 : vector<16xi1>
    %le3A_684 = arith.cmpf ole, %abs3A_675, %get3A_10 : vector<16xf32>
    %and3A_685 = arith.andi %and3A_683, %le3A_684 : vector<16xi1>
    %le3A_686 = arith.cmpf ole, %abs3A_676, %get3A_10 : vector<16xf32>
    %and3A_687 = arith.andi %and3A_685, %le3A_686 : vector<16xi1>
    %add3A_688 = arith.addf %get3A_13, %sub3A_674 : vector<16xf32>
    %sub3A_689 = arith.subf %get3A_16, %sub3A_674 : vector<16xf32>
    %add3A_690 = arith.addf %get3A_19, %sub3A_673 : vector<16xf32>
    %sub3A_691 = arith.subf %get3A_22, %sub3A_673 : vector<16xf32>
    %ge3A_692 = arith.constant 0.000000e+00 : f32
    %ge3A_693 = vector.broadcast %ge3A_692 : f32 to vector<16xf32>
    %ge3A_694 = arith.cmpf oge, %add3A_688, %ge3A_693 : vector<16xf32>
    %ge3A_695 = arith.constant 0.000000e+00 : f32
    %ge3A_696 = vector.broadcast %ge3A_695 : f32 to vector<16xf32>
    %ge3A_697 = arith.cmpf oge, %sub3A_689, %ge3A_696 : vector<16xf32>
    %and3A_698 = arith.andi %ge3A_694, %ge3A_697 : vector<16xi1>
    %ge3A_699 = arith.constant 0.000000e+00 : f32
    %ge3A_700 = vector.broadcast %ge3A_699 : f32 to vector<16xf32>
    %ge3A_701 = arith.cmpf oge, %add3A_690, %ge3A_700 : vector<16xf32>
    %and3A_702 = arith.andi %and3A_698, %ge3A_701 : vector<16xi1>
    %ge3A_703 = arith.constant 0.000000e+00 : f32
    %ge3A_704 = vector.broadcast %ge3A_703 : f32 to vector<16xf32>
    %ge3A_705 = arith.cmpf oge, %sub3A_691, %ge3A_704 : vector<16xf32>
    %and3A_706 = arith.andi %and3A_702, %ge3A_705 : vector<16xi1>
    %get3A_707 = arith.constant 912 : index
    %get3A_708 = tpu.vector_load %arg4[%get3A_707] {strides = array<i32>} : memref<2128xf32, #tpu.memory_space<vmem>>, vector<16xf32>,
    %get3A_709 = vector.shape_cast %get3A_708 : vector<16xf32> to vector<16xf32>
    %get3A_710 = arith.constant 1248 : index
    %get3A_711 = tpu.vector_load %arg4[%get3A_710] {strides = array<i32>} : memref<2128xf32, #tpu.memory_space<vmem>>, vector<16xf32>,
    %get3A_712 = vector.shape_cast %get3A_711 : vector<16xf32> to vector<16xf32>
    %get3A_713 = arith.constant 1584 : index
    %get3A_714 = tpu.vector_load %arg4[%get3A_713] {strides = array<i32>} : memref<2128xf32, #tpu.memory_space<vmem>>, vector<16xf32>,
    %get3A_715 = vector.shape_cast %get3A_714 : vector<16xf32> to vector<16xf32>
    %get3A_716 = arith.constant 1920 : index
    %get3A_717 = tpu.vector_load %arg4[%get3A_716] {strides = array<i32>} : memref<2128xf32, #tpu.memory_space<vmem>>, vector<16xf32>,
    %get3A_718 = vector.shape_cast %get3A_717 : vector<16xf32> to vector<16xf32>
    %add3A_719 = arith.addf %add3A_688, %sub3A_689 : vector<16xf32>
    %add3A_720 = arith.addf %add3A_690, %sub3A_691 : vector<16xf32>
    %mul3A_721 = arith.mulf %add3A_719, %add3A_720 : vector<16xf32>
    %add3A_722 = arith.addf %get3A_709, %get3A_712 : vector<16xf32>
    %add3A_723 = arith.addf %get3A_715, %get3A_718 : vector<16xf32>
    %mul3A_724 = arith.mulf %add3A_722, %add3A_723 : vector<16xf32>
    %min3A_725 = arith.minimumf %get3A_709, %add3A_688 : vector<16xf32>
    %min3A_726 = arith.minimumf %get3A_712, %sub3A_689 : vector<16xf32>
    %add3A_727 = arith.addf %min3A_725, %min3A_726 : vector<16xf32>
    %min3A_728 = arith.minimumf %get3A_718, %sub3A_691 : vector<16xf32>
    %min3A_729 = arith.minimumf %get3A_715, %add3A_690 : vector<16xf32>
    %add3A_730 = arith.addf %min3A_728, %min3A_729 : vector<16xf32>
    %mul3A_731 = arith.mulf %add3A_727, %add3A_730 : vector<16xf32>
    %add3A_732 = arith.addf %mul3A_721, %mul3A_724 : vector<16xf32>
    %sub3A_733 = arith.subf %add3A_732, %mul3A_731 : vector<16xf32>
    %add3A_734 = arith.constant 1.000000e+00 : f32
    %add3A_735 = vector.broadcast %add3A_734 : f32 to vector<16xf32>
    %add3A_736 = arith.addf %mul3A_731, %add3A_735 : vector<16xf32>
    %add3A_737 = arith.constant 1.000000e+00 : f32
    %add3A_738 = vector.broadcast %add3A_737 : f32 to vector<16xf32>
    %add3A_739 = arith.addf %sub3A_733, %add3A_738 : vector<16xf32>
    %div3A_740 = arith.divf %add3A_736, %add3A_739 : vector<16xf32>
    %and3A_741 = arith.andi %and3A_687, %and3A_706 : vector<16xi1>
    %jit3A_742 = arith.constant 0.000000e+00 : f32
    %broadcast_in_dim3A_743 = vector.broadcast %jit3A_742 : f32 to vector<16xf32>
    %select_n3A_744 = arith.select %and3A_741, %div3A_740, %broadcast_in_dim3A_743 : vector<16xi1>, vector<16xf32>
    %swap3A_745 = arith.constant 128 : index
    %swap3A_746 = tpu.vector_load %arg5[%swap3A_745] {strides = array<i32>} : memref<336xf32, #tpu.memory_space<vmem>>, vector<16xf32>,
    %swap3A_747 = vector.shape_cast %swap3A_746 : vector<16xf32> to vector<16xf32>
    %swap3A_748 = vector.shape_cast %select_n3A_744 : vector<16xf32> to vector<16xf32>
    tpu.vector_store %arg5[%swap3A_745], %swap3A_748 {strides = array<i32>} : memref<336xf32, #tpu.memory_space<vmem>>, vector<16xf32>,
    %get3A_749 = arith.constant 256 : index
    %get3A_750 = tpu.vector_load %arg4[%get3A_749] {strides = array<i32>} : memref<2128xf32, #tpu.memory_space<vmem>>, vector<16xf32>,
    %get3A_751 = vector.shape_cast %get3A_750 : vector<16xf32> to vector<16xf32>
    %get3A_752 = arith.constant 592 : index
    %get3A_753 = tpu.vector_load %arg4[%get3A_752] {strides = array<i32>} : memref<2128xf32, #tpu.memory_space<vmem>>, vector<16xf32>,
    %get3A_754 = vector.shape_cast %get3A_753 : vector<16xf32> to vector<16xf32>
    %sub3A_755 = arith.subf %get3A_751, %get3A_4 : vector<16xf32>
    %sub3A_756 = arith.subf %get3A_754, %get3A_7 : vector<16xf32>
    %abs3A_757 = math.absf %sub3A_755 : vector<16xf32>
    %abs3A_758 = math.absf %sub3A_756 : vector<16xf32>
    %le3A_759 = arith.constant 1.000000e+01 : f32
    %le3A_760 = vector.broadcast %le3A_759 : f32 to vector<16xf32>
    %le3A_761 = arith.cmpf ole, %abs3A_757, %le3A_760 : vector<16xf32>
    %le3A_762 = arith.constant 1.000000e+01 : f32
    %le3A_763 = vector.broadcast %le3A_762 : f32 to vector<16xf32>
    %le3A_764 = arith.cmpf ole, %abs3A_758, %le3A_763 : vector<16xf32>
    %and3A_765 = arith.andi %le3A_761, %le3A_764 : vector<16xi1>
    %le3A_766 = arith.cmpf ole, %abs3A_757, %get3A_10 : vector<16xf32>
    %and3A_767 = arith.andi %and3A_765, %le3A_766 : vector<16xi1>
    %le3A_768 = arith.cmpf ole, %abs3A_758, %get3A_10 : vector<16xf32>
    %and3A_769 = arith.andi %and3A_767, %le3A_768 : vector<16xi1>
    %add3A_770 = arith.addf %get3A_13, %sub3A_756 : vector<16xf32>
    %sub3A_771 = arith.subf %get3A_16, %sub3A_756 : vector<16xf32>
    %add3A_772 = arith.addf %get3A_19, %sub3A_755 : vector<16xf32>
    %sub3A_773 = arith.subf %get3A_22, %sub3A_755 : vector<16xf32>
    %ge3A_774 = arith.constant 0.000000e+00 : f32
    %ge3A_775 = vector.broadcast %ge3A_774 : f32 to vector<16xf32>
    %ge3A_776 = arith.cmpf oge, %add3A_770, %ge3A_775 : vector<16xf32>
    %ge3A_777 = arith.constant 0.000000e+00 : f32
    %ge3A_778 = vector.broadcast %ge3A_777 : f32 to vector<16xf32>
    %ge3A_779 = arith.cmpf oge, %sub3A_771, %ge3A_778 : vector<16xf32>
    %and3A_780 = arith.andi %ge3A_776, %ge3A_779 : vector<16xi1>
    %ge3A_781 = arith.constant 0.000000e+00 : f32
    %ge3A_782 = vector.broadcast %ge3A_781 : f32 to vector<16xf32>
    %ge3A_783 = arith.cmpf oge, %add3A_772, %ge3A_782 : vector<16xf32>
    %and3A_784 = arith.andi %and3A_780, %ge3A_783 : vector<16xi1>
    %ge3A_785 = arith.constant 0.000000e+00 : f32
    %ge3A_786 = vector.broadcast %ge3A_785 : f32 to vector<16xf32>
    %ge3A_787 = arith.cmpf oge, %sub3A_773, %ge3A_786 : vector<16xf32>
    %and3A_788 = arith.andi %and3A_784, %ge3A_787 : vector<16xi1>
    %get3A_789 = arith.constant 928 : index
    %get3A_790 = tpu.vector_load %arg4[%get3A_789] {strides = array<i32>} : memref<2128xf32, #tpu.memory_space<vmem>>, vector<16xf32>,
    %get3A_791 = vector.shape_cast %get3A_790 : vector<16xf32> to vector<16xf32>
    %get3A_792 = arith.constant 1264 : index
    %get3A_793 = tpu.vector_load %arg4[%get3A_792] {strides = array<i32>} : memref<2128xf32, #tpu.memory_space<vmem>>, vector<16xf32>,
    %get3A_794 = vector.shape_cast %get3A_793 : vector<16xf32> to vector<16xf32>
    %get3A_795 = arith.constant 1600 : index
    %get3A_796 = tpu.vector_load %arg4[%get3A_795] {strides = array<i32>} : memref<2128xf32, #tpu.memory_space<vmem>>, vector<16xf32>,
    %get3A_797 = vector.shape_cast %get3A_796 : vector<16xf32> to vector<16xf32>
    %get3A_798 = arith.constant 1936 : index
    %get3A_799 = tpu.vector_load %arg4[%get3A_798] {strides = array<i32>} : memref<2128xf32, #tpu.memory_space<vmem>>, vector<16xf32>,
    %get3A_800 = vector.shape_cast %get3A_799 : vector<16xf32> to vector<16xf32>
    %add3A_801 = arith.addf %add3A_770, %sub3A_771 : vector<16xf32>
    %add3A_802 = arith.addf %add3A_772, %sub3A_773 : vector<16xf32>
    %mul3A_803 = arith.mulf %add3A_801, %add3A_802 : vector<16xf32>
    %add3A_804 = arith.addf %get3A_791, %get3A_794 : vector<16xf32>
    %add3A_805 = arith.addf %get3A_797, %get3A_800 : vector<16xf32>
    %mul3A_806 = arith.mulf %add3A_804, %add3A_805 : vector<16xf32>
    %min3A_807 = arith.minimumf %get3A_791, %add3A_770 : vector<16xf32>
    %min3A_808 = arith.minimumf %get3A_794, %sub3A_771 : vector<16xf32>
    %add3A_809 = arith.addf %min3A_807, %min3A_808 : vector<16xf32>
    %min3A_810 = arith.minimumf %get3A_800, %sub3A_773 : vector<16xf32>
    %min3A_811 = arith.minimumf %get3A_797, %add3A_772 : vector<16xf32>
    %add3A_812 = arith.addf %min3A_810, %min3A_811 : vector<16xf32>
    %mul3A_813 = arith.mulf %add3A_809, %add3A_812 : vector<16xf32>
    %add3A_814 = arith.addf %mul3A_803, %mul3A_806 : vector<16xf32>
    %sub3A_815 = arith.subf %add3A_814, %mul3A_813 : vector<16xf32>
    %add3A_816 = arith.constant 1.000000e+00 : f32
    %add3A_817 = vector.broadcast %add3A_816 : f32 to vector<16xf32>
    %add3A_818 = arith.addf %mul3A_813, %add3A_817 : vector<16xf32>
    %add3A_819 = arith.constant 1.000000e+00 : f32
    %add3A_820 = vector.broadcast %add3A_819 : f32 to vector<16xf32>
    %add3A_821 = arith.addf %sub3A_815, %add3A_820 : vector<16xf32>
    %div3A_822 = arith.divf %add3A_818, %add3A_821 : vector<16xf32>
    %and3A_823 = arith.andi %and3A_769, %and3A_788 : vector<16xi1>
    %jit3A_824 = arith.constant 0.000000e+00 : f32
    %broadcast_in_dim3A_825 = vector.broadcast %jit3A_824 : f32 to vector<16xf32>
    %select_n3A_826 = arith.select %and3A_823, %div3A_822, %broadcast_in_dim3A_825 : vector<16xi1>, vector<16xf32>
    %swap3A_827 = arith.constant 144 : index
    %swap3A_828 = tpu.vector_load %arg5[%swap3A_827] {strides = array<i32>} : memref<336xf32, #tpu.memory_space<vmem>>, vector<16xf32>,
    %swap3A_829 = vector.shape_cast %swap3A_828 : vector<16xf32> to vector<16xf32>
    %swap3A_830 = vector.shape_cast %select_n3A_826 : vector<16xf32> to vector<16xf32>
    tpu.vector_store %arg5[%swap3A_827], %swap3A_830 {strides = array<i32>} : memref<336xf32, #tpu.memory_space<vmem>>, vector<16xf32>,
    %get3A_831 = arith.constant 272 : index
    %get3A_832 = tpu.vector_load %arg4[%get3A_831] {strides = array<i32>} : memref<2128xf32, #tpu.memory_space<vmem>>, vector<16xf32>,
    %get3A_833 = vector.shape_cast %get3A_832 : vector<16xf32> to vector<16xf32>
    %get3A_834 = arith.constant 608 : index
    %get3A_835 = tpu.vector_load %arg4[%get3A_834] {strides = array<i32>} : memref<2128xf32, #tpu.memory_space<vmem>>, vector<16xf32>,
    %get3A_836 = vector.shape_cast %get3A_835 : vector<16xf32> to vector<16xf32>
    %sub3A_837 = arith.subf %get3A_833, %get3A_4 : vector<16xf32>
    %sub3A_838 = arith.subf %get3A_836, %get3A_7 : vector<16xf32>
    %abs3A_839 = math.absf %sub3A_837 : vector<16xf32>
    %abs3A_840 = math.absf %sub3A_838 : vector<16xf32>
    %le3A_841 = arith.constant 1.000000e+01 : f32
    %le3A_842 = vector.broadcast %le3A_841 : f32 to vector<16xf32>
    %le3A_843 = arith.cmpf ole, %abs3A_839, %le3A_842 : vector<16xf32>
    %le3A_844 = arith.constant 1.000000e+01 : f32
    %le3A_845 = vector.broadcast %le3A_844 : f32 to vector<16xf32>
    %le3A_846 = arith.cmpf ole, %abs3A_840, %le3A_845 : vector<16xf32>
    %and3A_847 = arith.andi %le3A_843, %le3A_846 : vector<16xi1>
    %le3A_848 = arith.cmpf ole, %abs3A_839, %get3A_10 : vector<16xf32>
    %and3A_849 = arith.andi %and3A_847, %le3A_848 : vector<16xi1>
    %le3A_850 = arith.cmpf ole, %abs3A_840, %get3A_10 : vector<16xf32>
    %and3A_851 = arith.andi %and3A_849, %le3A_850 : vector<16xi1>
    %add3A_852 = arith.addf %get3A_13, %sub3A_838 : vector<16xf32>
    %sub3A_853 = arith.subf %get3A_16, %sub3A_838 : vector<16xf32>
    %add3A_854 = arith.addf %get3A_19, %sub3A_837 : vector<16xf32>
    %sub3A_855 = arith.subf %get3A_22, %sub3A_837 : vector<16xf32>
    %ge3A_856 = arith.constant 0.000000e+00 : f32
    %ge3A_857 = vector.broadcast %ge3A_856 : f32 to vector<16xf32>
    %ge3A_858 = arith.cmpf oge, %add3A_852, %ge3A_857 : vector<16xf32>
    %ge3A_859 = arith.constant 0.000000e+00 : f32
    %ge3A_860 = vector.broadcast %ge3A_859 : f32 to vector<16xf32>
    %ge3A_861 = arith.cmpf oge, %sub3A_853, %ge3A_860 : vector<16xf32>
    %and3A_862 = arith.andi %ge3A_858, %ge3A_861 : vector<16xi1>
    %ge3A_863 = arith.constant 0.000000e+00 : f32
    %ge3A_864 = vector.broadcast %ge3A_863 : f32 to vector<16xf32>
    %ge3A_865 = arith.cmpf oge, %add3A_854, %ge3A_864 : vector<16xf32>
    %and3A_866 = arith.andi %and3A_862, %ge3A_865 : vector<16xi1>
    %ge3A_867 = arith.constant 0.000000e+00 : f32
    %ge3A_868 = vector.broadcast %ge3A_867 : f32 to vector<16xf32>
    %ge3A_869 = arith.cmpf oge, %sub3A_855, %ge3A_868 : vector<16xf32>
    %and3A_870 = arith.andi %and3A_866, %ge3A_869 : vector<16xi1>
    %get3A_871 = arith.constant 944 : index
    %get3A_872 = tpu.vector_load %arg4[%get3A_871] {strides = array<i32>} : memref<2128xf32, #tpu.memory_space<vmem>>, vector<16xf32>,
    %get3A_873 = vector.shape_cast %get3A_872 : vector<16xf32> to vector<16xf32>
    %get3A_874 = arith.constant 1280 : index
    %get3A_875 = tpu.vector_load %arg4[%get3A_874] {strides = array<i32>} : memref<2128xf32, #tpu.memory_space<vmem>>, vector<16xf32>,
    %get3A_876 = vector.shape_cast %get3A_875 : vector<16xf32> to vector<16xf32>
    %get3A_877 = arith.constant 1616 : index
    %get3A_878 = tpu.vector_load %arg4[%get3A_877] {strides = array<i32>} : memref<2128xf32, #tpu.memory_space<vmem>>, vector<16xf32>,
    %get3A_879 = vector.shape_cast %get3A_878 : vector<16xf32> to vector<16xf32>
    %get3A_880 = arith.constant 1952 : index
    %get3A_881 = tpu.vector_load %arg4[%get3A_880] {strides = array<i32>} : memref<2128xf32, #tpu.memory_space<vmem>>, vector<16xf32>,
    %get3A_882 = vector.shape_cast %get3A_881 : vector<16xf32> to vector<16xf32>
    %add3A_883 = arith.addf %add3A_852, %sub3A_853 : vector<16xf32>
    %add3A_884 = arith.addf %add3A_854, %sub3A_855 : vector<16xf32>
    %mul3A_885 = arith.mulf %add3A_883, %add3A_884 : vector<16xf32>
    %add3A_886 = arith.addf %get3A_873, %get3A_876 : vector<16xf32>
    %add3A_887 = arith.addf %get3A_879, %get3A_882 : vector<16xf32>
    %mul3A_888 = arith.mulf %add3A_886, %add3A_887 : vector<16xf32>
    %min3A_889 = arith.minimumf %get3A_873, %add3A_852 : vector<16xf32>
    %min3A_890 = arith.minimumf %get3A_876, %sub3A_853 : vector<16xf32>
    %add3A_891 = arith.addf %min3A_889, %min3A_890 : vector<16xf32>
    %min3A_892 = arith.minimumf %get3A_882, %sub3A_855 : vector<16xf32>
    %min3A_893 = arith.minimumf %get3A_879, %add3A_854 : vector<16xf32>
    %add3A_894 = arith.addf %min3A_892, %min3A_893 : vector<16xf32>
    %mul3A_895 = arith.mulf %add3A_891, %add3A_894 : vector<16xf32>
    %add3A_896 = arith.addf %mul3A_885, %mul3A_888 : vector<16xf32>
    %sub3A_897 = arith.subf %add3A_896, %mul3A_895 : vector<16xf32>
    %add3A_898 = arith.constant 1.000000e+00 : f32
    %add3A_899 = vector.broadcast %add3A_898 : f32 to vector<16xf32>
    %add3A_900 = arith.addf %mul3A_895, %add3A_899 : vector<16xf32>
    %add3A_901 = arith.constant 1.000000e+00 : f32
    %add3A_902 = vector.broadcast %add3A_901 : f32 to vector<16xf32>
    %add3A_903 = arith.addf %sub3A_897, %add3A_902 : vector<16xf32>
    %div3A_904 = arith.divf %add3A_900, %add3A_903 : vector<16xf32>
    %and3A_905 = arith.andi %and3A_851, %and3A_870 : vector<16xi1>
    %jit3A_906 = arith.constant 0.000000e+00 : f32
    %broadcast_in_dim3A_907 = vector.broadcast %jit3A_906 : f32 to vector<16xf32>
    %select_n3A_908 = arith.select %and3A_905, %div3A_904, %broadcast_in_dim3A_907 : vector<16xi1>, vector<16xf32>
    %swap3A_909 = arith.constant 160 : index
    %swap3A_910 = tpu.vector_load %arg5[%swap3A_909] {strides = array<i32>} : memref<336xf32, #tpu.memory_space<vmem>>, vector<16xf32>,
    %swap3A_911 = vector.shape_cast %swap3A_910 : vector<16xf32> to vector<16xf32>
    %swap3A_912 = vector.shape_cast %select_n3A_908 : vector<16xf32> to vector<16xf32>
    tpu.vector_store %arg5[%swap3A_909], %swap3A_912 {strides = array<i32>} : memref<336xf32, #tpu.memory_space<vmem>>, vector<16xf32>,
    %get3A_913 = arith.constant 288 : index
    %get3A_914 = tpu.vector_load %arg4[%get3A_913] {strides = array<i32>} : memref<2128xf32, #tpu.memory_space<vmem>>, vector<16xf32>,
    %get3A_915 = vector.shape_cast %get3A_914 : vector<16xf32> to vector<16xf32>
    %get3A_916 = arith.constant 624 : index
    %get3A_917 = tpu.vector_load %arg4[%get3A_916] {strides = array<i32>} : memref<2128xf32, #tpu.memory_space<vmem>>, vector<16xf32>,
    %get3A_918 = vector.shape_cast %get3A_917 : vector<16xf32> to vector<16xf32>
    %sub3A_919 = arith.subf %get3A_915, %get3A_4 : vector<16xf32>
    %sub3A_920 = arith.subf %get3A_918, %get3A_7 : vector<16xf32>
    %abs3A_921 = math.absf %sub3A_919 : vector<16xf32>
    %abs3A_922 = math.absf %sub3A_920 : vector<16xf32>
    %le3A_923 = arith.constant 1.000000e+01 : f32
    %le3A_924 = vector.broadcast %le3A_923 : f32 to vector<16xf32>
    %le3A_925 = arith.cmpf ole, %abs3A_921, %le3A_924 : vector<16xf32>
    %le3A_926 = arith.constant 1.000000e+01 : f32
    %le3A_927 = vector.broadcast %le3A_926 : f32 to vector<16xf32>
    %le3A_928 = arith.cmpf ole, %abs3A_922, %le3A_927 : vector<16xf32>
    %and3A_929 = arith.andi %le3A_925, %le3A_928 : vector<16xi1>
    %le3A_930 = arith.cmpf ole, %abs3A_921, %get3A_10 : vector<16xf32>
    %and3A_931 = arith.andi %and3A_929, %le3A_930 : vector<16xi1>
    %le3A_932 = arith.cmpf ole, %abs3A_922, %get3A_10 : vector<16xf32>
    %and3A_933 = arith.andi %and3A_931, %le3A_932 : vector<16xi1>
    %add3A_934 = arith.addf %get3A_13, %sub3A_920 : vector<16xf32>
    %sub3A_935 = arith.subf %get3A_16, %sub3A_920 : vector<16xf32>
    %add3A_936 = arith.addf %get3A_19, %sub3A_919 : vector<16xf32>
    %sub3A_937 = arith.subf %get3A_22, %sub3A_919 : vector<16xf32>
    %ge3A_938 = arith.constant 0.000000e+00 : f32
    %ge3A_939 = vector.broadcast %ge3A_938 : f32 to vector<16xf32>
    %ge3A_940 = arith.cmpf oge, %add3A_934, %ge3A_939 : vector<16xf32>
    %ge3A_941 = arith.constant 0.000000e+00 : f32
    %ge3A_942 = vector.broadcast %ge3A_941 : f32 to vector<16xf32>
    %ge3A_943 = arith.cmpf oge, %sub3A_935, %ge3A_942 : vector<16xf32>
    %and3A_944 = arith.andi %ge3A_940, %ge3A_943 : vector<16xi1>
    %ge3A_945 = arith.constant 0.000000e+00 : f32
    %ge3A_946 = vector.broadcast %ge3A_945 : f32 to vector<16xf32>
    %ge3A_947 = arith.cmpf oge, %add3A_936, %ge3A_946 : vector<16xf32>
    %and3A_948 = arith.andi %and3A_944, %ge3A_947 : vector<16xi1>
    %ge3A_949 = arith.constant 0.000000e+00 : f32
    %ge3A_950 = vector.broadcast %ge3A_949 : f32 to vector<16xf32>
    %ge3A_951 = arith.cmpf oge, %sub3A_937, %ge3A_950 : vector<16xf32>
    %and3A_952 = arith.andi %and3A_948, %ge3A_951 : vector<16xi1>
    %get3A_953 = arith.constant 960 : index
    %get3A_954 = tpu.vector_load %arg4[%get3A_953] {strides = array<i32>} : memref<2128xf32, #tpu.memory_space<vmem>>, vector<16xf32>,
    %get3A_955 = vector.shape_cast %get3A_954 : vector<16xf32> to vector<16xf32>
    %get3A_956 = arith.constant 1296 : index
    %get3A_957 = tpu.vector_load %arg4[%get3A_956] {strides = array<i32>} : memref<2128xf32, #tpu.memory_space<vmem>>, vector<16xf32>,
    %get3A_958 = vector.shape_cast %get3A_957 : vector<16xf32> to vector<16xf32>
    %get3A_959 = arith.constant 1632 : index
    %get3A_960 = tpu.vector_load %arg4[%get3A_959] {strides = array<i32>} : memref<2128xf32, #tpu.memory_space<vmem>>, vector<16xf32>,
    %get3A_961 = vector.shape_cast %get3A_960 : vector<16xf32> to vector<16xf32>
    %get3A_962 = arith.constant 1968 : index
    %get3A_963 = tpu.vector_load %arg4[%get3A_962] {strides = array<i32>} : memref<2128xf32, #tpu.memory_space<vmem>>, vector<16xf32>,
    %get3A_964 = vector.shape_cast %get3A_963 : vector<16xf32> to vector<16xf32>
    %add3A_965 = arith.addf %add3A_934, %sub3A_935 : vector<16xf32>
    %add3A_966 = arith.addf %add3A_936, %sub3A_937 : vector<16xf32>
    %mul3A_967 = arith.mulf %add3A_965, %add3A_966 : vector<16xf32>
    %add3A_968 = arith.addf %get3A_955, %get3A_958 : vector<16xf32>
    %add3A_969 = arith.addf %get3A_961, %get3A_964 : vector<16xf32>
    %mul3A_970 = arith.mulf %add3A_968, %add3A_969 : vector<16xf32>
    %min3A_971 = arith.minimumf %get3A_955, %add3A_934 : vector<16xf32>
    %min3A_972 = arith.minimumf %get3A_958, %sub3A_935 : vector<16xf32>
    %add3A_973 = arith.addf %min3A_971, %min3A_972 : vector<16xf32>
    %min3A_974 = arith.minimumf %get3A_964, %sub3A_937 : vector<16xf32>
    %min3A_975 = arith.minimumf %get3A_961, %add3A_936 : vector<16xf32>
    %add3A_976 = arith.addf %min3A_974, %min3A_975 : vector<16xf32>
    %mul3A_977 = arith.mulf %add3A_973, %add3A_976 : vector<16xf32>
    %add3A_978 = arith.addf %mul3A_967, %mul3A_970 : vector<16xf32>
    %sub3A_979 = arith.subf %add3A_978, %mul3A_977 : vector<16xf32>
    %add3A_980 = arith.constant 1.000000e+00 : f32
    %add3A_981 = vector.broadcast %add3A_980 : f32 to vector<16xf32>
    %add3A_982 = arith.addf %mul3A_977, %add3A_981 : vector<16xf32>
    %add3A_983 = arith.constant 1.000000e+00 : f32
    %add3A_984 = vector.broadcast %add3A_983 : f32 to vector<16xf32>
    %add3A_985 = arith.addf %sub3A_979, %add3A_984 : vector<16xf32>
    %div3A_986 = arith.divf %add3A_982, %add3A_985 : vector<16xf32>
    %and3A_987 = arith.andi %and3A_933, %and3A_952 : vector<16xi1>
    %jit3A_988 = arith.constant 0.000000e+00 : f32
    %broadcast_in_dim3A_989 = vector.broadcast %jit3A_988 : f32 to vector<16xf32>
    %select_n3A_990 = arith.select %and3A_987, %div3A_986, %broadcast_in_dim3A_989 : vector<16xi1>, vector<16xf32>
    %swap3A_991 = arith.constant 176 : index
    %swap3A_992 = tpu.vector_load %arg5[%swap3A_991] {strides = array<i32>} : memref<336xf32, #tpu.memory_space<vmem>>, vector<16xf32>,
    %swap3A_993 = vector.shape_cast %swap3A_992 : vector<16xf32> to vector<16xf32>
    %swap3A_994 = vector.shape_cast %select_n3A_990 : vector<16xf32> to vector<16xf32>
    tpu.vector_store %arg5[%swap3A_991], %swap3A_994 {strides = array<i32>} : memref<336xf32, #tpu.memory_space<vmem>>, vector<16xf32>,
    %get3A_995 = arith.constant 304 : index
    %get3A_996 = tpu.vector_load %arg4[%get3A_995] {strides = array<i32>} : memref<2128xf32, #tpu.memory_space<vmem>>, vector<16xf32>,
    %get3A_997 = vector.shape_cast %get3A_996 : vector<16xf32> to vector<16xf32>
    %get3A_998 = arith.constant 640 : index
    %get3A_999 = tpu.vector_load %arg4[%get3A_998] {strides = array<i32>} : memref<2128xf32, #tpu.memory_space<vmem>>, vector<16xf32>,
    %get3A_1000 = vector.shape_cast %get3A_999 : vector<16xf32> to vector<16xf32>
    %sub3A_1001 = arith.subf %get3A_997, %get3A_4 : vector<16xf32>
    %sub3A_1002 = arith.subf %get3A_1000, %get3A_7 : vector<16xf32>
    %abs3A_1003 = math.absf %sub3A_1001 : vector<16xf32>
    %abs3A_1004 = math.absf %sub3A_1002 : vector<16xf32>
    %le3A_1005 = arith.constant 1.000000e+01 : f32
    %le3A_1006 = vector.broadcast %le3A_1005 : f32 to vector<16xf32>
    %le3A_1007 = arith.cmpf ole, %abs3A_1003, %le3A_1006 : vector<16xf32>
    %le3A_1008 = arith.constant 1.000000e+01 : f32
    %le3A_1009 = vector.broadcast %le3A_1008 : f32 to vector<16xf32>
    %le3A_1010 = arith.cmpf ole, %abs3A_1004, %le3A_1009 : vector<16xf32>
    %and3A_1011 = arith.andi %le3A_1007, %le3A_1010 : vector<16xi1>
    %le3A_1012 = arith.cmpf ole, %abs3A_1003, %get3A_10 : vector<16xf32>
    %and3A_1013 = arith.andi %and3A_1011, %le3A_1012 : vector<16xi1>
    %le3A_1014 = arith.cmpf ole, %abs3A_1004, %get3A_10 : vector<16xf32>
    %and3A_1015 = arith.andi %and3A_1013, %le3A_1014 : vector<16xi1>
    %add3A_1016 = arith.addf %get3A_13, %sub3A_1002 : vector<16xf32>
    %sub3A_1017 = arith.subf %get3A_16, %sub3A_1002 : vector<16xf32>
    %add3A_1018 = arith.addf %get3A_19, %sub3A_1001 : vector<16xf32>
    %sub3A_1019 = arith.subf %get3A_22, %sub3A_1001 : vector<16xf32>
    %ge3A_1020 = arith.constant 0.000000e+00 : f32
    %ge3A_1021 = vector.broadcast %ge3A_1020 : f32 to vector<16xf32>
    %ge3A_1022 = arith.cmpf oge, %add3A_1016, %ge3A_1021 : vector<16xf32>
    %ge3A_1023 = arith.constant 0.000000e+00 : f32
    %ge3A_1024 = vector.broadcast %ge3A_1023 : f32 to vector<16xf32>
    %ge3A_1025 = arith.cmpf oge, %sub3A_1017, %ge3A_1024 : vector<16xf32>
    %and3A_1026 = arith.andi %ge3A_1022, %ge3A_1025 : vector<16xi1>
    %ge3A_1027 = arith.constant 0.000000e+00 : f32
    %ge3A_1028 = vector.broadcast %ge3A_1027 : f32 to vector<16xf32>
    %ge3A_1029 = arith.cmpf oge, %add3A_1018, %ge3A_1028 : vector<16xf32>
    %and3A_1030 = arith.andi %and3A_1026, %ge3A_1029 : vector<16xi1>
    %ge3A_1031 = arith.constant 0.000000e+00 : f32
    %ge3A_1032 = vector.broadcast %ge3A_1031 : f32 to vector<16xf32>
    %ge3A_1033 = arith.cmpf oge, %sub3A_1019, %ge3A_1032 : vector<16xf32>
    %and3A_1034 = arith.andi %and3A_1030, %ge3A_1033 : vector<16xi1>
    %get3A_1035 = arith.constant 976 : index
    %get3A_1036 = tpu.vector_load %arg4[%get3A_1035] {strides = array<i32>} : memref<2128xf32, #tpu.memory_space<vmem>>, vector<16xf32>,
    %get3A_1037 = vector.shape_cast %get3A_1036 : vector<16xf32> to vector<16xf32>
    %get3A_1038 = arith.constant 1312 : index
    %get3A_1039 = tpu.vector_load %arg4[%get3A_1038] {strides = array<i32>} : memref<2128xf32, #tpu.memory_space<vmem>>, vector<16xf32>,
    %get3A_1040 = vector.shape_cast %get3A_1039 : vector<16xf32> to vector<16xf32>
    %get3A_1041 = arith.constant 1648 : index
    %get3A_1042 = tpu.vector_load %arg4[%get3A_1041] {strides = array<i32>} : memref<2128xf32, #tpu.memory_space<vmem>>, vector<16xf32>,
    %get3A_1043 = vector.shape_cast %get3A_1042 : vector<16xf32> to vector<16xf32>
    %get3A_1044 = arith.constant 1984 : index
    %get3A_1045 = tpu.vector_load %arg4[%get3A_1044] {strides = array<i32>} : memref<2128xf32, #tpu.memory_space<vmem>>, vector<16xf32>,
    %get3A_1046 = vector.shape_cast %get3A_1045 : vector<16xf32> to vector<16xf32>
    %add3A_1047 = arith.addf %add3A_1016, %sub3A_1017 : vector<16xf32>
    %add3A_1048 = arith.addf %add3A_1018, %sub3A_1019 : vector<16xf32>
    %mul3A_1049 = arith.mulf %add3A_1047, %add3A_1048 : vector<16xf32>
    %add3A_1050 = arith.addf %get3A_1037, %get3A_1040 : vector<16xf32>
    %add3A_1051 = arith.addf %get3A_1043, %get3A_1046 : vector<16xf32>
    %mul3A_1052 = arith.mulf %add3A_1050, %add3A_1051 : vector<16xf32>
    %min3A_1053 = arith.minimumf %get3A_1037, %add3A_1016 : vector<16xf32>
    %min3A_1054 = arith.minimumf %get3A_1040, %sub3A_1017 : vector<16xf32>
    %add3A_1055 = arith.addf %min3A_1053, %min3A_1054 : vector<16xf32>
    %min3A_1056 = arith.minimumf %get3A_1046, %sub3A_1019 : vector<16xf32>
    %min3A_1057 = arith.minimumf %get3A_1043, %add3A_1018 : vector<16xf32>
    %add3A_1058 = arith.addf %min3A_1056, %min3A_1057 : vector<16xf32>
    %mul3A_1059 = arith.mulf %add3A_1055, %add3A_1058 : vector<16xf32>
    %add3A_1060 = arith.addf %mul3A_1049, %mul3A_1052 : vector<16xf32>
    %sub3A_1061 = arith.subf %add3A_1060, %mul3A_1059 : vector<16xf32>
    %add3A_1062 = arith.constant 1.000000e+00 : f32
    %add3A_1063 = vector.broadcast %add3A_1062 : f32 to vector<16xf32>
    %add3A_1064 = arith.addf %mul3A_1059, %add3A_1063 : vector<16xf32>
    %add3A_1065 = arith.constant 1.000000e+00 : f32
    %add3A_1066 = vector.broadcast %add3A_1065 : f32 to vector<16xf32>
    %add3A_1067 = arith.addf %sub3A_1061, %add3A_1066 : vector<16xf32>
    %div3A_1068 = arith.divf %add3A_1064, %add3A_1067 : vector<16xf32>
    %and3A_1069 = arith.andi %and3A_1015, %and3A_1034 : vector<16xi1>
    %jit3A_1070 = arith.constant 0.000000e+00 : f32
    %broadcast_in_dim3A_1071 = vector.broadcast %jit3A_1070 : f32 to vector<16xf32>
    %select_n3A_1072 = arith.select %and3A_1069, %div3A_1068, %broadcast_in_dim3A_1071 : vector<16xi1>, vector<16xf32>
    %swap3A_1073 = arith.constant 192 : index
    %swap3A_1074 = tpu.vector_load %arg5[%swap3A_1073] {strides = array<i32>} : memref<336xf32, #tpu.memory_space<vmem>>, vector<16xf32>,
    %swap3A_1075 = vector.shape_cast %swap3A_1074 : vector<16xf32> to vector<16xf32>
    %swap3A_1076 = vector.shape_cast %select_n3A_1072 : vector<16xf32> to vector<16xf32>
    tpu.vector_store %arg5[%swap3A_1073], %swap3A_1076 {strides = array<i32>} : memref<336xf32, #tpu.memory_space<vmem>>, vector<16xf32>,
    %get3A_1077 = arith.constant 320 : index
    %get3A_1078 = tpu.vector_load %arg4[%get3A_1077] {strides = array<i32>} : memref<2128xf32, #tpu.memory_space<vmem>>, vector<16xf32>,
    %get3A_1079 = vector.shape_cast %get3A_1078 : vector<16xf32> to vector<16xf32>
    %get3A_1080 = arith.constant 656 : index
    %get3A_1081 = tpu.vector_load %arg4[%get3A_1080] {strides = array<i32>} : memref<2128xf32, #tpu.memory_space<vmem>>, vector<16xf32>,
    %get3A_1082 = vector.shape_cast %get3A_1081 : vector<16xf32> to vector<16xf32>
    %sub3A_1083 = arith.subf %get3A_1079, %get3A_4 : vector<16xf32>
    %sub3A_1084 = arith.subf %get3A_1082, %get3A_7 : vector<16xf32>
    %abs3A_1085 = math.absf %sub3A_1083 : vector<16xf32>
    %abs3A_1086 = math.absf %sub3A_1084 : vector<16xf32>
    %le3A_1087 = arith.constant 1.000000e+01 : f32
    %le3A_1088 = vector.broadcast %le3A_1087 : f32 to vector<16xf32>
    %le3A_1089 = arith.cmpf ole, %abs3A_1085, %le3A_1088 : vector<16xf32>
    %le3A_1090 = arith.constant 1.000000e+01 : f32
    %le3A_1091 = vector.broadcast %le3A_1090 : f32 to vector<16xf32>
    %le3A_1092 = arith.cmpf ole, %abs3A_1086, %le3A_1091 : vector<16xf32>
    %and3A_1093 = arith.andi %le3A_1089, %le3A_1092 : vector<16xi1>
    %le3A_1094 = arith.cmpf ole, %abs3A_1085, %get3A_10 : vector<16xf32>
    %and3A_1095 = arith.andi %and3A_1093, %le3A_1094 : vector<16xi1>
    %le3A_1096 = arith.cmpf ole, %abs3A_1086, %get3A_10 : vector<16xf32>
    %and3A_1097 = arith.andi %and3A_1095, %le3A_1096 : vector<16xi1>
    %add3A_1098 = arith.addf %get3A_13, %sub3A_1084 : vector<16xf32>
    %sub3A_1099 = arith.subf %get3A_16, %sub3A_1084 : vector<16xf32>
    %add3A_1100 = arith.addf %get3A_19, %sub3A_1083 : vector<16xf32>
    %sub3A_1101 = arith.subf %get3A_22, %sub3A_1083 : vector<16xf32>
    %ge3A_1102 = arith.constant 0.000000e+00 : f32
    %ge3A_1103 = vector.broadcast %ge3A_1102 : f32 to vector<16xf32>
    %ge3A_1104 = arith.cmpf oge, %add3A_1098, %ge3A_1103 : vector<16xf32>
    %ge3A_1105 = arith.constant 0.000000e+00 : f32
    %ge3A_1106 = vector.broadcast %ge3A_1105 : f32 to vector<16xf32>
    %ge3A_1107 = arith.cmpf oge, %sub3A_1099, %ge3A_1106 : vector<16xf32>
    %and3A_1108 = arith.andi %ge3A_1104, %ge3A_1107 : vector<16xi1>
    %ge3A_1109 = arith.constant 0.000000e+00 : f32
    %ge3A_1110 = vector.broadcast %ge3A_1109 : f32 to vector<16xf32>
    %ge3A_1111 = arith.cmpf oge, %add3A_1100, %ge3A_1110 : vector<16xf32>
    %and3A_1112 = arith.andi %and3A_1108, %ge3A_1111 : vector<16xi1>
    %ge3A_1113 = arith.constant 0.000000e+00 : f32
    %ge3A_1114 = vector.broadcast %ge3A_1113 : f32 to vector<16xf32>
    %ge3A_1115 = arith.cmpf oge, %sub3A_1101, %ge3A_1114 : vector<16xf32>
    %and3A_1116 = arith.andi %and3A_1112, %ge3A_1115 : vector<16xi1>
    %get3A_1117 = arith.constant 992 : index
    %get3A_1118 = tpu.vector_load %arg4[%get3A_1117] {strides = array<i32>} : memref<2128xf32, #tpu.memory_space<vmem>>, vector<16xf32>,
    %get3A_1119 = vector.shape_cast %get3A_1118 : vector<16xf32> to vector<16xf32>
    %get3A_1120 = arith.constant 1328 : index
    %get3A_1121 = tpu.vector_load %arg4[%get3A_1120] {strides = array<i32>} : memref<2128xf32, #tpu.memory_space<vmem>>, vector<16xf32>,
    %get3A_1122 = vector.shape_cast %get3A_1121 : vector<16xf32> to vector<16xf32>
    %get3A_1123 = arith.constant 1664 : index
    %get3A_1124 = tpu.vector_load %arg4[%get3A_1123] {strides = array<i32>} : memref<2128xf32, #tpu.memory_space<vmem>>, vector<16xf32>,
    %get3A_1125 = vector.shape_cast %get3A_1124 : vector<16xf32> to vector<16xf32>
    %get3A_1126 = arith.constant 2000 : index
    %get3A_1127 = tpu.vector_load %arg4[%get3A_1126] {strides = array<i32>} : memref<2128xf32, #tpu.memory_space<vmem>>, vector<16xf32>,
    %get3A_1128 = vector.shape_cast %get3A_1127 : vector<16xf32> to vector<16xf32>
    %add3A_1129 = arith.addf %add3A_1098, %sub3A_1099 : vector<16xf32>
    %add3A_1130 = arith.addf %add3A_1100, %sub3A_1101 : vector<16xf32>
    %mul3A_1131 = arith.mulf %add3A_1129, %add3A_1130 : vector<16xf32>
    %add3A_1132 = arith.addf %get3A_1119, %get3A_1122 : vector<16xf32>
    %add3A_1133 = arith.addf %get3A_1125, %get3A_1128 : vector<16xf32>
    %mul3A_1134 = arith.mulf %add3A_1132, %add3A_1133 : vector<16xf32>
    %min3A_1135 = arith.minimumf %get3A_1119, %add3A_1098 : vector<16xf32>
    %min3A_1136 = arith.minimumf %get3A_1122, %sub3A_1099 : vector<16xf32>
    %add3A_1137 = arith.addf %min3A_1135, %min3A_1136 : vector<16xf32>
    %min3A_1138 = arith.minimumf %get3A_1128, %sub3A_1101 : vector<16xf32>
    %min3A_1139 = arith.minimumf %get3A_1125, %add3A_1100 : vector<16xf32>
    %add3A_1140 = arith.addf %min3A_1138, %min3A_1139 : vector<16xf32>
    %mul3A_1141 = arith.mulf %add3A_1137, %add3A_1140 : vector<16xf32>
    %add3A_1142 = arith.addf %mul3A_1131, %mul3A_1134 : vector<16xf32>
    %sub3A_1143 = arith.subf %add3A_1142, %mul3A_1141 : vector<16xf32>
    %add3A_1144 = arith.constant 1.000000e+00 : f32
    %add3A_1145 = vector.broadcast %add3A_1144 : f32 to vector<16xf32>
    %add3A_1146 = arith.addf %mul3A_1141, %add3A_1145 : vector<16xf32>
    %add3A_1147 = arith.constant 1.000000e+00 : f32
    %add3A_1148 = vector.broadcast %add3A_1147 : f32 to vector<16xf32>
    %add3A_1149 = arith.addf %sub3A_1143, %add3A_1148 : vector<16xf32>
    %div3A_1150 = arith.divf %add3A_1146, %add3A_1149 : vector<16xf32>
    %and3A_1151 = arith.andi %and3A_1097, %and3A_1116 : vector<16xi1>
    %jit3A_1152 = arith.constant 0.000000e+00 : f32
    %broadcast_in_dim3A_1153 = vector.broadcast %jit3A_1152 : f32 to vector<16xf32>
    %select_n3A_1154 = arith.select %and3A_1151, %div3A_1150, %broadcast_in_dim3A_1153 : vector<16xi1>, vector<16xf32>
    %swap3A_1155 = arith.constant 208 : index
    %swap3A_1156 = tpu.vector_load %arg5[%swap3A_1155] {strides = array<i32>} : memref<336xf32, #tpu.memory_space<vmem>>, vector<16xf32>,
    %swap3A_1157 = vector.shape_cast %swap3A_1156 : vector<16xf32> to vector<16xf32>
    %swap3A_1158 = vector.shape_cast %select_n3A_1154 : vector<16xf32> to vector<16xf32>
    tpu.vector_store %arg5[%swap3A_1155], %swap3A_1158 {strides = array<i32>} : memref<336xf32, #tpu.memory_space<vmem>>, vector<16xf32>,
    %get3A_1159 = arith.constant 336 : index
    %get3A_1160 = tpu.vector_load %arg4[%get3A_1159] {strides = array<i32>} : memref<2128xf32, #tpu.memory_space<vmem>>, vector<16xf32>,
    %get3A_1161 = vector.shape_cast %get3A_1160 : vector<16xf32> to vector<16xf32>
    %get3A_1162 = arith.constant 672 : index
    %get3A_1163 = tpu.vector_load %arg4[%get3A_1162] {strides = array<i32>} : memref<2128xf32, #tpu.memory_space<vmem>>, vector<16xf32>,
    %get3A_1164 = vector.shape_cast %get3A_1163 : vector<16xf32> to vector<16xf32>
    %sub3A_1165 = arith.subf %get3A_1161, %get3A_4 : vector<16xf32>
    %sub3A_1166 = arith.subf %get3A_1164, %get3A_7 : vector<16xf32>
    %abs3A_1167 = math.absf %sub3A_1165 : vector<16xf32>
    %abs3A_1168 = math.absf %sub3A_1166 : vector<16xf32>
    %le3A_1169 = arith.constant 1.000000e+01 : f32
    %le3A_1170 = vector.broadcast %le3A_1169 : f32 to vector<16xf32>
    %le3A_1171 = arith.cmpf ole, %abs3A_1167, %le3A_1170 : vector<16xf32>
    %le3A_1172 = arith.constant 1.000000e+01 : f32
    %le3A_1173 = vector.broadcast %le3A_1172 : f32 to vector<16xf32>
    %le3A_1174 = arith.cmpf ole, %abs3A_1168, %le3A_1173 : vector<16xf32>
    %and3A_1175 = arith.andi %le3A_1171, %le3A_1174 : vector<16xi1>
    %le3A_1176 = arith.cmpf ole, %abs3A_1167, %get3A_10 : vector<16xf32>
    %and3A_1177 = arith.andi %and3A_1175, %le3A_1176 : vector<16xi1>
    %le3A_1178 = arith.cmpf ole, %abs3A_1168, %get3A_10 : vector<16xf32>
    %and3A_1179 = arith.andi %and3A_1177, %le3A_1178 : vector<16xi1>
    %add3A_1180 = arith.addf %get3A_13, %sub3A_1166 : vector<16xf32>
    %sub3A_1181 = arith.subf %get3A_16, %sub3A_1166 : vector<16xf32>
    %add3A_1182 = arith.addf %get3A_19, %sub3A_1165 : vector<16xf32>
    %sub3A_1183 = arith.subf %get3A_22, %sub3A_1165 : vector<16xf32>
    %ge3A_1184 = arith.constant 0.000000e+00 : f32
    %ge3A_1185 = vector.broadcast %ge3A_1184 : f32 to vector<16xf32>
    %ge3A_1186 = arith.cmpf oge, %add3A_1180, %ge3A_1185 : vector<16xf32>
    %ge3A_1187 = arith.constant 0.000000e+00 : f32
    %ge3A_1188 = vector.broadcast %ge3A_1187 : f32 to vector<16xf32>
    %ge3A_1189 = arith.cmpf oge, %sub3A_1181, %ge3A_1188 : vector<16xf32>
    %and3A_1190 = arith.andi %ge3A_1186, %ge3A_1189 : vector<16xi1>
    %ge3A_1191 = arith.constant 0.000000e+00 : f32
    %ge3A_1192 = vector.broadcast %ge3A_1191 : f32 to vector<16xf32>
    %ge3A_1193 = arith.cmpf oge, %add3A_1182, %ge3A_1192 : vector<16xf32>
    %and3A_1194 = arith.andi %and3A_1190, %ge3A_1193 : vector<16xi1>
    %ge3A_1195 = arith.constant 0.000000e+00 : f32
    %ge3A_1196 = vector.broadcast %ge3A_1195 : f32 to vector<16xf32>
    %ge3A_1197 = arith.cmpf oge, %sub3A_1183, %ge3A_1196 : vector<16xf32>
    %and3A_1198 = arith.andi %and3A_1194, %ge3A_1197 : vector<16xi1>
    %get3A_1199 = arith.constant 1008 : index
    %get3A_1200 = tpu.vector_load %arg4[%get3A_1199] {strides = array<i32>} : memref<2128xf32, #tpu.memory_space<vmem>>, vector<16xf32>,
    %get3A_1201 = vector.shape_cast %get3A_1200 : vector<16xf32> to vector<16xf32>
    %get3A_1202 = arith.constant 1344 : index
    %get3A_1203 = tpu.vector_load %arg4[%get3A_1202] {strides = array<i32>} : memref<2128xf32, #tpu.memory_space<vmem>>, vector<16xf32>,
    %get3A_1204 = vector.shape_cast %get3A_1203 : vector<16xf32> to vector<16xf32>
    %get3A_1205 = arith.constant 1680 : index
    %get3A_1206 = tpu.vector_load %arg4[%get3A_1205] {strides = array<i32>} : memref<2128xf32, #tpu.memory_space<vmem>>, vector<16xf32>,
    %get3A_1207 = vector.shape_cast %get3A_1206 : vector<16xf32> to vector<16xf32>
    %get3A_1208 = arith.constant 2016 : index
    %get3A_1209 = tpu.vector_load %arg4[%get3A_1208] {strides = array<i32>} : memref<2128xf32, #tpu.memory_space<vmem>>, vector<16xf32>,
    %get3A_1210 = vector.shape_cast %get3A_1209 : vector<16xf32> to vector<16xf32>
    %add3A_1211 = arith.addf %add3A_1180, %sub3A_1181 : vector<16xf32>
    %add3A_1212 = arith.addf %add3A_1182, %sub3A_1183 : vector<16xf32>
    %mul3A_1213 = arith.mulf %add3A_1211, %add3A_1212 : vector<16xf32>
    %add3A_1214 = arith.addf %get3A_1201, %get3A_1204 : vector<16xf32>
    %add3A_1215 = arith.addf %get3A_1207, %get3A_1210 : vector<16xf32>
    %mul3A_1216 = arith.mulf %add3A_1214, %add3A_1215 : vector<16xf32>
    %min3A_1217 = arith.minimumf %get3A_1201, %add3A_1180 : vector<16xf32>
    %min3A_1218 = arith.minimumf %get3A_1204, %sub3A_1181 : vector<16xf32>
    %add3A_1219 = arith.addf %min3A_1217, %min3A_1218 : vector<16xf32>
    %min3A_1220 = arith.minimumf %get3A_1210, %sub3A_1183 : vector<16xf32>
    %min3A_1221 = arith.minimumf %get3A_1207, %add3A_1182 : vector<16xf32>
    %add3A_1222 = arith.addf %min3A_1220, %min3A_1221 : vector<16xf32>
    %mul3A_1223 = arith.mulf %add3A_1219, %add3A_1222 : vector<16xf32>
    %add3A_1224 = arith.addf %mul3A_1213, %mul3A_1216 : vector<16xf32>
    %sub3A_1225 = arith.subf %add3A_1224, %mul3A_1223 : vector<16xf32>
    %add3A_1226 = arith.constant 1.000000e+00 : f32
    %add3A_1227 = vector.broadcast %add3A_1226 : f32 to vector<16xf32>
    %add3A_1228 = arith.addf %mul3A_1223, %add3A_1227 : vector<16xf32>
    %add3A_1229 = arith.constant 1.000000e+00 : f32
    %add3A_1230 = vector.broadcast %add3A_1229 : f32 to vector<16xf32>
    %add3A_1231 = arith.addf %sub3A_1225, %add3A_1230 : vector<16xf32>
    %div3A_1232 = arith.divf %add3A_1228, %add3A_1231 : vector<16xf32>
    %and3A_1233 = arith.andi %and3A_1179, %and3A_1198 : vector<16xi1>
    %jit3A_1234 = arith.constant 0.000000e+00 : f32
    %broadcast_in_dim3A_1235 = vector.broadcast %jit3A_1234 : f32 to vector<16xf32>
    %select_n3A_1236 = arith.select %and3A_1233, %div3A_1232, %broadcast_in_dim3A_1235 : vector<16xi1>, vector<16xf32>
    %swap3A_1237 = arith.constant 224 : index
    %swap3A_1238 = tpu.vector_load %arg5[%swap3A_1237] {strides = array<i32>} : memref<336xf32, #tpu.memory_space<vmem>>, vector<16xf32>,
    %swap3A_1239 = vector.shape_cast %swap3A_1238 : vector<16xf32> to vector<16xf32>
    %swap3A_1240 = vector.shape_cast %select_n3A_1236 : vector<16xf32> to vector<16xf32>
    tpu.vector_store %arg5[%swap3A_1237], %swap3A_1240 {strides = array<i32>} : memref<336xf32, #tpu.memory_space<vmem>>, vector<16xf32>,
    %get3A_1241 = arith.constant 352 : index
    %get3A_1242 = tpu.vector_load %arg4[%get3A_1241] {strides = array<i32>} : memref<2128xf32, #tpu.memory_space<vmem>>, vector<16xf32>,
    %get3A_1243 = vector.shape_cast %get3A_1242 : vector<16xf32> to vector<16xf32>
    %get3A_1244 = arith.constant 688 : index
    %get3A_1245 = tpu.vector_load %arg4[%get3A_1244] {strides = array<i32>} : memref<2128xf32, #tpu.memory_space<vmem>>, vector<16xf32>,
    %get3A_1246 = vector.shape_cast %get3A_1245 : vector<16xf32> to vector<16xf32>
    %sub3A_1247 = arith.subf %get3A_1243, %get3A_4 : vector<16xf32>
    %sub3A_1248 = arith.subf %get3A_1246, %get3A_7 : vector<16xf32>
    %abs3A_1249 = math.absf %sub3A_1247 : vector<16xf32>
    %abs3A_1250 = math.absf %sub3A_1248 : vector<16xf32>
    %le3A_1251 = arith.constant 1.000000e+01 : f32
    %le3A_1252 = vector.broadcast %le3A_1251 : f32 to vector<16xf32>
    %le3A_1253 = arith.cmpf ole, %abs3A_1249, %le3A_1252 : vector<16xf32>
    %le3A_1254 = arith.constant 1.000000e+01 : f32
    %le3A_1255 = vector.broadcast %le3A_1254 : f32 to vector<16xf32>
    %le3A_1256 = arith.cmpf ole, %abs3A_1250, %le3A_1255 : vector<16xf32>
    %and3A_1257 = arith.andi %le3A_1253, %le3A_1256 : vector<16xi1>
    %le3A_1258 = arith.cmpf ole, %abs3A_1249, %get3A_10 : vector<16xf32>
    %and3A_1259 = arith.andi %and3A_1257, %le3A_1258 : vector<16xi1>
    %le3A_1260 = arith.cmpf ole, %abs3A_1250, %get3A_10 : vector<16xf32>
    %and3A_1261 = arith.andi %and3A_1259, %le3A_1260 : vector<16xi1>
    %add3A_1262 = arith.addf %get3A_13, %sub3A_1248 : vector<16xf32>
    %sub3A_1263 = arith.subf %get3A_16, %sub3A_1248 : vector<16xf32>
    %add3A_1264 = arith.addf %get3A_19, %sub3A_1247 : vector<16xf32>
    %sub3A_1265 = arith.subf %get3A_22, %sub3A_1247 : vector<16xf32>
    %ge3A_1266 = arith.constant 0.000000e+00 : f32
    %ge3A_1267 = vector.broadcast %ge3A_1266 : f32 to vector<16xf32>
    %ge3A_1268 = arith.cmpf oge, %add3A_1262, %ge3A_1267 : vector<16xf32>
    %ge3A_1269 = arith.constant 0.000000e+00 : f32
    %ge3A_1270 = vector.broadcast %ge3A_1269 : f32 to vector<16xf32>
    %ge3A_1271 = arith.cmpf oge, %sub3A_1263, %ge3A_1270 : vector<16xf32>
    %and3A_1272 = arith.andi %ge3A_1268, %ge3A_1271 : vector<16xi1>
    %ge3A_1273 = arith.constant 0.000000e+00 : f32
    %ge3A_1274 = vector.broadcast %ge3A_1273 : f32 to vector<16xf32>
    %ge3A_1275 = arith.cmpf oge, %add3A_1264, %ge3A_1274 : vector<16xf32>
    %and3A_1276 = arith.andi %and3A_1272, %ge3A_1275 : vector<16xi1>
    %ge3A_1277 = arith.constant 0.000000e+00 : f32
    %ge3A_1278 = vector.broadcast %ge3A_1277 : f32 to vector<16xf32>
    %ge3A_1279 = arith.cmpf oge, %sub3A_1265, %ge3A_1278 : vector<16xf32>
    %and3A_1280 = arith.andi %and3A_1276, %ge3A_1279 : vector<16xi1>
    %get3A_1281 = arith.constant 1024 : index
    %get3A_1282 = tpu.vector_load %arg4[%get3A_1281] {strides = array<i32>} : memref<2128xf32, #tpu.memory_space<vmem>>, vector<16xf32>,
    %get3A_1283 = vector.shape_cast %get3A_1282 : vector<16xf32> to vector<16xf32>
    %get3A_1284 = arith.constant 1360 : index
    %get3A_1285 = tpu.vector_load %arg4[%get3A_1284] {strides = array<i32>} : memref<2128xf32, #tpu.memory_space<vmem>>, vector<16xf32>,
    %get3A_1286 = vector.shape_cast %get3A_1285 : vector<16xf32> to vector<16xf32>
    %get3A_1287 = arith.constant 1696 : index
    %get3A_1288 = tpu.vector_load %arg4[%get3A_1287] {strides = array<i32>} : memref<2128xf32, #tpu.memory_space<vmem>>, vector<16xf32>,
    %get3A_1289 = vector.shape_cast %get3A_1288 : vector<16xf32> to vector<16xf32>
    %get3A_1290 = arith.constant 2032 : index
    %get3A_1291 = tpu.vector_load %arg4[%get3A_1290] {strides = array<i32>} : memref<2128xf32, #tpu.memory_space<vmem>>, vector<16xf32>,
    %get3A_1292 = vector.shape_cast %get3A_1291 : vector<16xf32> to vector<16xf32>
    %add3A_1293 = arith.addf %add3A_1262, %sub3A_1263 : vector<16xf32>
    %add3A_1294 = arith.addf %add3A_1264, %sub3A_1265 : vector<16xf32>
    %mul3A_1295 = arith.mulf %add3A_1293, %add3A_1294 : vector<16xf32>
    %add3A_1296 = arith.addf %get3A_1283, %get3A_1286 : vector<16xf32>
    %add3A_1297 = arith.addf %get3A_1289, %get3A_1292 : vector<16xf32>
    %mul3A_1298 = arith.mulf %add3A_1296, %add3A_1297 : vector<16xf32>
    %min3A_1299 = arith.minimumf %get3A_1283, %add3A_1262 : vector<16xf32>
    %min3A_1300 = arith.minimumf %get3A_1286, %sub3A_1263 : vector<16xf32>
    %add3A_1301 = arith.addf %min3A_1299, %min3A_1300 : vector<16xf32>
    %min3A_1302 = arith.minimumf %get3A_1292, %sub3A_1265 : vector<16xf32>
    %min3A_1303 = arith.minimumf %get3A_1289, %add3A_1264 : vector<16xf32>
    %add3A_1304 = arith.addf %min3A_1302, %min3A_1303 : vector<16xf32>
    %mul3A_1305 = arith.mulf %add3A_1301, %add3A_1304 : vector<16xf32>
    %add3A_1306 = arith.addf %mul3A_1295, %mul3A_1298 : vector<16xf32>
    %sub3A_1307 = arith.subf %add3A_1306, %mul3A_1305 : vector<16xf32>
    %add3A_1308 = arith.constant 1.000000e+00 : f32
    %add3A_1309 = vector.broadcast %add3A_1308 : f32 to vector<16xf32>
    %add3A_1310 = arith.addf %mul3A_1305, %add3A_1309 : vector<16xf32>
    %add3A_1311 = arith.constant 1.000000e+00 : f32
    %add3A_1312 = vector.broadcast %add3A_1311 : f32 to vector<16xf32>
    %add3A_1313 = arith.addf %sub3A_1307, %add3A_1312 : vector<16xf32>
    %div3A_1314 = arith.divf %add3A_1310, %add3A_1313 : vector<16xf32>
    %and3A_1315 = arith.andi %and3A_1261, %and3A_1280 : vector<16xi1>
    %jit3A_1316 = arith.constant 0.000000e+00 : f32
    %broadcast_in_dim3A_1317 = vector.broadcast %jit3A_1316 : f32 to vector<16xf32>
    %select_n3A_1318 = arith.select %and3A_1315, %div3A_1314, %broadcast_in_dim3A_1317 : vector<16xi1>, vector<16xf32>
    %swap3A_1319 = arith.constant 240 : index
    %swap3A_1320 = tpu.vector_load %arg5[%swap3A_1319] {strides = array<i32>} : memref<336xf32, #tpu.memory_space<vmem>>, vector<16xf32>,
    %swap3A_1321 = vector.shape_cast %swap3A_1320 : vector<16xf32> to vector<16xf32>
    %swap3A_1322 = vector.shape_cast %select_n3A_1318 : vector<16xf32> to vector<16xf32>
    tpu.vector_store %arg5[%swap3A_1319], %swap3A_1322 {strides = array<i32>} : memref<336xf32, #tpu.memory_space<vmem>>, vector<16xf32>,
    %get3A_1323 = arith.constant 368 : index
    %get3A_1324 = tpu.vector_load %arg4[%get3A_1323] {strides = array<i32>} : memref<2128xf32, #tpu.memory_space<vmem>>, vector<16xf32>,
    %get3A_1325 = vector.shape_cast %get3A_1324 : vector<16xf32> to vector<16xf32>
    %get3A_1326 = arith.constant 704 : index
    %get3A_1327 = tpu.vector_load %arg4[%get3A_1326] {strides = array<i32>} : memref<2128xf32, #tpu.memory_space<vmem>>, vector<16xf32>,
    %get3A_1328 = vector.shape_cast %get3A_1327 : vector<16xf32> to vector<16xf32>
    %sub3A_1329 = arith.subf %get3A_1325, %get3A_4 : vector<16xf32>
    %sub3A_1330 = arith.subf %get3A_1328, %get3A_7 : vector<16xf32>
    %abs3A_1331 = math.absf %sub3A_1329 : vector<16xf32>
    %abs3A_1332 = math.absf %sub3A_1330 : vector<16xf32>
    %le3A_1333 = arith.constant 1.000000e+01 : f32
    %le3A_1334 = vector.broadcast %le3A_1333 : f32 to vector<16xf32>
    %le3A_1335 = arith.cmpf ole, %abs3A_1331, %le3A_1334 : vector<16xf32>
    %le3A_1336 = arith.constant 1.000000e+01 : f32
    %le3A_1337 = vector.broadcast %le3A_1336 : f32 to vector<16xf32>
    %le3A_1338 = arith.cmpf ole, %abs3A_1332, %le3A_1337 : vector<16xf32>
    %and3A_1339 = arith.andi %le3A_1335, %le3A_1338 : vector<16xi1>
    %le3A_1340 = arith.cmpf ole, %abs3A_1331, %get3A_10 : vector<16xf32>
    %and3A_1341 = arith.andi %and3A_1339, %le3A_1340 : vector<16xi1>
    %le3A_1342 = arith.cmpf ole, %abs3A_1332, %get3A_10 : vector<16xf32>
    %and3A_1343 = arith.andi %and3A_1341, %le3A_1342 : vector<16xi1>
    %add3A_1344 = arith.addf %get3A_13, %sub3A_1330 : vector<16xf32>
    %sub3A_1345 = arith.subf %get3A_16, %sub3A_1330 : vector<16xf32>
    %add3A_1346 = arith.addf %get3A_19, %sub3A_1329 : vector<16xf32>
    %sub3A_1347 = arith.subf %get3A_22, %sub3A_1329 : vector<16xf32>
    %ge3A_1348 = arith.constant 0.000000e+00 : f32
    %ge3A_1349 = vector.broadcast %ge3A_1348 : f32 to vector<16xf32>
    %ge3A_1350 = arith.cmpf oge, %add3A_1344, %ge3A_1349 : vector<16xf32>
    %ge3A_1351 = arith.constant 0.000000e+00 : f32
    %ge3A_1352 = vector.broadcast %ge3A_1351 : f32 to vector<16xf32>
    %ge3A_1353 = arith.cmpf oge, %sub3A_1345, %ge3A_1352 : vector<16xf32>
    %and3A_1354 = arith.andi %ge3A_1350, %ge3A_1353 : vector<16xi1>
    %ge3A_1355 = arith.constant 0.000000e+00 : f32
    %ge3A_1356 = vector.broadcast %ge3A_1355 : f32 to vector<16xf32>
    %ge3A_1357 = arith.cmpf oge, %add3A_1346, %ge3A_1356 : vector<16xf32>
    %and3A_1358 = arith.andi %and3A_1354, %ge3A_1357 : vector<16xi1>
    %ge3A_1359 = arith.constant 0.000000e+00 : f32
    %ge3A_1360 = vector.broadcast %ge3A_1359 : f32 to vector<16xf32>
    %ge3A_1361 = arith.cmpf oge, %sub3A_1347, %ge3A_1360 : vector<16xf32>
    %and3A_1362 = arith.andi %and3A_1358, %ge3A_1361 : vector<16xi1>
    %get3A_1363 = arith.constant 1040 : index
    %get3A_1364 = tpu.vector_load %arg4[%get3A_1363] {strides = array<i32>} : memref<2128xf32, #tpu.memory_space<vmem>>, vector<16xf32>,
    %get3A_1365 = vector.shape_cast %get3A_1364 : vector<16xf32> to vector<16xf32>
    %get3A_1366 = arith.constant 1376 : index
    %get3A_1367 = tpu.vector_load %arg4[%get3A_1366] {strides = array<i32>} : memref<2128xf32, #tpu.memory_space<vmem>>, vector<16xf32>,
    %get3A_1368 = vector.shape_cast %get3A_1367 : vector<16xf32> to vector<16xf32>
    %get3A_1369 = arith.constant 1712 : index
    %get3A_1370 = tpu.vector_load %arg4[%get3A_1369] {strides = array<i32>} : memref<2128xf32, #tpu.memory_space<vmem>>, vector<16xf32>,
    %get3A_1371 = vector.shape_cast %get3A_1370 : vector<16xf32> to vector<16xf32>
    %get3A_1372 = arith.constant 2048 : index
    %get3A_1373 = tpu.vector_load %arg4[%get3A_1372] {strides = array<i32>} : memref<2128xf32, #tpu.memory_space<vmem>>, vector<16xf32>,
    %get3A_1374 = vector.shape_cast %get3A_1373 : vector<16xf32> to vector<16xf32>
    %add3A_1375 = arith.addf %add3A_1344, %sub3A_1345 : vector<16xf32>
    %add3A_1376 = arith.addf %add3A_1346, %sub3A_1347 : vector<16xf32>
    %mul3A_1377 = arith.mulf %add3A_1375, %add3A_1376 : vector<16xf32>
    %add3A_1378 = arith.addf %get3A_1365, %get3A_1368 : vector<16xf32>
    %add3A_1379 = arith.addf %get3A_1371, %get3A_1374 : vector<16xf32>
    %mul3A_1380 = arith.mulf %add3A_1378, %add3A_1379 : vector<16xf32>
    %min3A_1381 = arith.minimumf %get3A_1365, %add3A_1344 : vector<16xf32>
    %min3A_1382 = arith.minimumf %get3A_1368, %sub3A_1345 : vector<16xf32>
    %add3A_1383 = arith.addf %min3A_1381, %min3A_1382 : vector<16xf32>
    %min3A_1384 = arith.minimumf %get3A_1374, %sub3A_1347 : vector<16xf32>
    %min3A_1385 = arith.minimumf %get3A_1371, %add3A_1346 : vector<16xf32>
    %add3A_1386 = arith.addf %min3A_1384, %min3A_1385 : vector<16xf32>
    %mul3A_1387 = arith.mulf %add3A_1383, %add3A_1386 : vector<16xf32>
    %add3A_1388 = arith.addf %mul3A_1377, %mul3A_1380 : vector<16xf32>
    %sub3A_1389 = arith.subf %add3A_1388, %mul3A_1387 : vector<16xf32>
    %add3A_1390 = arith.constant 1.000000e+00 : f32
    %add3A_1391 = vector.broadcast %add3A_1390 : f32 to vector<16xf32>
    %add3A_1392 = arith.addf %mul3A_1387, %add3A_1391 : vector<16xf32>
    %add3A_1393 = arith.constant 1.000000e+00 : f32
    %add3A_1394 = vector.broadcast %add3A_1393 : f32 to vector<16xf32>
    %add3A_1395 = arith.addf %sub3A_1389, %add3A_1394 : vector<16xf32>
    %div3A_1396 = arith.divf %add3A_1392, %add3A_1395 : vector<16xf32>
    %and3A_1397 = arith.andi %and3A_1343, %and3A_1362 : vector<16xi1>
    %jit3A_1398 = arith.constant 0.000000e+00 : f32
    %broadcast_in_dim3A_1399 = vector.broadcast %jit3A_1398 : f32 to vector<16xf32>
    %select_n3A_1400 = arith.select %and3A_1397, %div3A_1396, %broadcast_in_dim3A_1399 : vector<16xi1>, vector<16xf32>
    %swap3A_1401 = arith.constant 256 : index
    %swap3A_1402 = tpu.vector_load %arg5[%swap3A_1401] {strides = array<i32>} : memref<336xf32, #tpu.memory_space<vmem>>, vector<16xf32>,
    %swap3A_1403 = vector.shape_cast %swap3A_1402 : vector<16xf32> to vector<16xf32>
    %swap3A_1404 = vector.shape_cast %select_n3A_1400 : vector<16xf32> to vector<16xf32>
    tpu.vector_store %arg5[%swap3A_1401], %swap3A_1404 {strides = array<i32>} : memref<336xf32, #tpu.memory_space<vmem>>, vector<16xf32>,
    %get3A_1405 = arith.constant 384 : index
    %get3A_1406 = tpu.vector_load %arg4[%get3A_1405] {strides = array<i32>} : memref<2128xf32, #tpu.memory_space<vmem>>, vector<16xf32>,
    %get3A_1407 = vector.shape_cast %get3A_1406 : vector<16xf32> to vector<16xf32>
    %get3A_1408 = arith.constant 720 : index
    %get3A_1409 = tpu.vector_load %arg4[%get3A_1408] {strides = array<i32>} : memref<2128xf32, #tpu.memory_space<vmem>>, vector<16xf32>,
    %get3A_1410 = vector.shape_cast %get3A_1409 : vector<16xf32> to vector<16xf32>
    %sub3A_1411 = arith.subf %get3A_1407, %get3A_4 : vector<16xf32>
    %sub3A_1412 = arith.subf %get3A_1410, %get3A_7 : vector<16xf32>
    %abs3A_1413 = math.absf %sub3A_1411 : vector<16xf32>
    %abs3A_1414 = math.absf %sub3A_1412 : vector<16xf32>
    %le3A_1415 = arith.constant 1.000000e+01 : f32
    %le3A_1416 = vector.broadcast %le3A_1415 : f32 to vector<16xf32>
    %le3A_1417 = arith.cmpf ole, %abs3A_1413, %le3A_1416 : vector<16xf32>
    %le3A_1418 = arith.constant 1.000000e+01 : f32
    %le3A_1419 = vector.broadcast %le3A_1418 : f32 to vector<16xf32>
    %le3A_1420 = arith.cmpf ole, %abs3A_1414, %le3A_1419 : vector<16xf32>
    %and3A_1421 = arith.andi %le3A_1417, %le3A_1420 : vector<16xi1>
    %le3A_1422 = arith.cmpf ole, %abs3A_1413, %get3A_10 : vector<16xf32>
    %and3A_1423 = arith.andi %and3A_1421, %le3A_1422 : vector<16xi1>
    %le3A_1424 = arith.cmpf ole, %abs3A_1414, %get3A_10 : vector<16xf32>
    %and3A_1425 = arith.andi %and3A_1423, %le3A_1424 : vector<16xi1>
    %add3A_1426 = arith.addf %get3A_13, %sub3A_1412 : vector<16xf32>
    %sub3A_1427 = arith.subf %get3A_16, %sub3A_1412 : vector<16xf32>
    %add3A_1428 = arith.addf %get3A_19, %sub3A_1411 : vector<16xf32>
    %sub3A_1429 = arith.subf %get3A_22, %sub3A_1411 : vector<16xf32>
    %ge3A_1430 = arith.constant 0.000000e+00 : f32
    %ge3A_1431 = vector.broadcast %ge3A_1430 : f32 to vector<16xf32>
    %ge3A_1432 = arith.cmpf oge, %add3A_1426, %ge3A_1431 : vector<16xf32>
    %ge3A_1433 = arith.constant 0.000000e+00 : f32
    %ge3A_1434 = vector.broadcast %ge3A_1433 : f32 to vector<16xf32>
    %ge3A_1435 = arith.cmpf oge, %sub3A_1427, %ge3A_1434 : vector<16xf32>
    %and3A_1436 = arith.andi %ge3A_1432, %ge3A_1435 : vector<16xi1>
    %ge3A_1437 = arith.constant 0.000000e+00 : f32
    %ge3A_1438 = vector.broadcast %ge3A_1437 : f32 to vector<16xf32>
    %ge3A_1439 = arith.cmpf oge, %add3A_1428, %ge3A_1438 : vector<16xf32>
    %and3A_1440 = arith.andi %and3A_1436, %ge3A_1439 : vector<16xi1>
    %ge3A_1441 = arith.constant 0.000000e+00 : f32
    %ge3A_1442 = vector.broadcast %ge3A_1441 : f32 to vector<16xf32>
    %ge3A_1443 = arith.cmpf oge, %sub3A_1429, %ge3A_1442 : vector<16xf32>
    %and3A_1444 = arith.andi %and3A_1440, %ge3A_1443 : vector<16xi1>
    %get3A_1445 = arith.constant 1056 : index
    %get3A_1446 = tpu.vector_load %arg4[%get3A_1445] {strides = array<i32>} : memref<2128xf32, #tpu.memory_space<vmem>>, vector<16xf32>,
    %get3A_1447 = vector.shape_cast %get3A_1446 : vector<16xf32> to vector<16xf32>
    %get3A_1448 = arith.constant 1392 : index
    %get3A_1449 = tpu.vector_load %arg4[%get3A_1448] {strides = array<i32>} : memref<2128xf32, #tpu.memory_space<vmem>>, vector<16xf32>,
    %get3A_1450 = vector.shape_cast %get3A_1449 : vector<16xf32> to vector<16xf32>
    %get3A_1451 = arith.constant 1728 : index
    %get3A_1452 = tpu.vector_load %arg4[%get3A_1451] {strides = array<i32>} : memref<2128xf32, #tpu.memory_space<vmem>>, vector<16xf32>,
    %get3A_1453 = vector.shape_cast %get3A_1452 : vector<16xf32> to vector<16xf32>
    %get3A_1454 = arith.constant 2064 : index
    %get3A_1455 = tpu.vector_load %arg4[%get3A_1454] {strides = array<i32>} : memref<2128xf32, #tpu.memory_space<vmem>>, vector<16xf32>,
    %get3A_1456 = vector.shape_cast %get3A_1455 : vector<16xf32> to vector<16xf32>
    %add3A_1457 = arith.addf %add3A_1426, %sub3A_1427 : vector<16xf32>
    %add3A_1458 = arith.addf %add3A_1428, %sub3A_1429 : vector<16xf32>
    %mul3A_1459 = arith.mulf %add3A_1457, %add3A_1458 : vector<16xf32>
    %add3A_1460 = arith.addf %get3A_1447, %get3A_1450 : vector<16xf32>
    %add3A_1461 = arith.addf %get3A_1453, %get3A_1456 : vector<16xf32>
    %mul3A_1462 = arith.mulf %add3A_1460, %add3A_1461 : vector<16xf32>
    %min3A_1463 = arith.minimumf %get3A_1447, %add3A_1426 : vector<16xf32>
    %min3A_1464 = arith.minimumf %get3A_1450, %sub3A_1427 : vector<16xf32>
    %add3A_1465 = arith.addf %min3A_1463, %min3A_1464 : vector<16xf32>
    %min3A_1466 = arith.minimumf %get3A_1456, %sub3A_1429 : vector<16xf32>
    %min3A_1467 = arith.minimumf %get3A_1453, %add3A_1428 : vector<16xf32>
    %add3A_1468 = arith.addf %min3A_1466, %min3A_1467 : vector<16xf32>
    %mul3A_1469 = arith.mulf %add3A_1465, %add3A_1468 : vector<16xf32>
    %add3A_1470 = arith.addf %mul3A_1459, %mul3A_1462 : vector<16xf32>
    %sub3A_1471 = arith.subf %add3A_1470, %mul3A_1469 : vector<16xf32>
    %add3A_1472 = arith.constant 1.000000e+00 : f32
    %add3A_1473 = vector.broadcast %add3A_1472 : f32 to vector<16xf32>
    %add3A_1474 = arith.addf %mul3A_1469, %add3A_1473 : vector<16xf32>
    %add3A_1475 = arith.constant 1.000000e+00 : f32
    %add3A_1476 = vector.broadcast %add3A_1475 : f32 to vector<16xf32>
    %add3A_1477 = arith.addf %sub3A_1471, %add3A_1476 : vector<16xf32>
    %div3A_1478 = arith.divf %add3A_1474, %add3A_1477 : vector<16xf32>
    %and3A_1479 = arith.andi %and3A_1425, %and3A_1444 : vector<16xi1>
    %jit3A_1480 = arith.constant 0.000000e+00 : f32
    %broadcast_in_dim3A_1481 = vector.broadcast %jit3A_1480 : f32 to vector<16xf32>
    %select_n3A_1482 = arith.select %and3A_1479, %div3A_1478, %broadcast_in_dim3A_1481 : vector<16xi1>, vector<16xf32>
    %swap3A_1483 = arith.constant 272 : index
    %swap3A_1484 = tpu.vector_load %arg5[%swap3A_1483] {strides = array<i32>} : memref<336xf32, #tpu.memory_space<vmem>>, vector<16xf32>,
    %swap3A_1485 = vector.shape_cast %swap3A_1484 : vector<16xf32> to vector<16xf32>
    %swap3A_1486 = vector.shape_cast %select_n3A_1482 : vector<16xf32> to vector<16xf32>
    tpu.vector_store %arg5[%swap3A_1483], %swap3A_1486 {strides = array<i32>} : memref<336xf32, #tpu.memory_space<vmem>>, vector<16xf32>,
    %get3A_1487 = arith.constant 400 : index
    %get3A_1488 = tpu.vector_load %arg4[%get3A_1487] {strides = array<i32>} : memref<2128xf32, #tpu.memory_space<vmem>>, vector<16xf32>,
    %get3A_1489 = vector.shape_cast %get3A_1488 : vector<16xf32> to vector<16xf32>
    %get3A_1490 = arith.constant 736 : index
    %get3A_1491 = tpu.vector_load %arg4[%get3A_1490] {strides = array<i32>} : memref<2128xf32, #tpu.memory_space<vmem>>, vector<16xf32>,
    %get3A_1492 = vector.shape_cast %get3A_1491 : vector<16xf32> to vector<16xf32>
    %sub3A_1493 = arith.subf %get3A_1489, %get3A_4 : vector<16xf32>
    %sub3A_1494 = arith.subf %get3A_1492, %get3A_7 : vector<16xf32>
    %abs3A_1495 = math.absf %sub3A_1493 : vector<16xf32>
    %abs3A_1496 = math.absf %sub3A_1494 : vector<16xf32>
    %le3A_1497 = arith.constant 1.000000e+01 : f32
    %le3A_1498 = vector.broadcast %le3A_1497 : f32 to vector<16xf32>
    %le3A_1499 = arith.cmpf ole, %abs3A_1495, %le3A_1498 : vector<16xf32>
    %le3A_1500 = arith.constant 1.000000e+01 : f32
    %le3A_1501 = vector.broadcast %le3A_1500 : f32 to vector<16xf32>
    %le3A_1502 = arith.cmpf ole, %abs3A_1496, %le3A_1501 : vector<16xf32>
    %and3A_1503 = arith.andi %le3A_1499, %le3A_1502 : vector<16xi1>
    %le3A_1504 = arith.cmpf ole, %abs3A_1495, %get3A_10 : vector<16xf32>
    %and3A_1505 = arith.andi %and3A_1503, %le3A_1504 : vector<16xi1>
    %le3A_1506 = arith.cmpf ole, %abs3A_1496, %get3A_10 : vector<16xf32>
    %and3A_1507 = arith.andi %and3A_1505, %le3A_1506 : vector<16xi1>
    %add3A_1508 = arith.addf %get3A_13, %sub3A_1494 : vector<16xf32>
    %sub3A_1509 = arith.subf %get3A_16, %sub3A_1494 : vector<16xf32>
    %add3A_1510 = arith.addf %get3A_19, %sub3A_1493 : vector<16xf32>
    %sub3A_1511 = arith.subf %get3A_22, %sub3A_1493 : vector<16xf32>
    %ge3A_1512 = arith.constant 0.000000e+00 : f32
    %ge3A_1513 = vector.broadcast %ge3A_1512 : f32 to vector<16xf32>
    %ge3A_1514 = arith.cmpf oge, %add3A_1508, %ge3A_1513 : vector<16xf32>
    %ge3A_1515 = arith.constant 0.000000e+00 : f32
    %ge3A_1516 = vector.broadcast %ge3A_1515 : f32 to vector<16xf32>
    %ge3A_1517 = arith.cmpf oge, %sub3A_1509, %ge3A_1516 : vector<16xf32>
    %and3A_1518 = arith.andi %ge3A_1514, %ge3A_1517 : vector<16xi1>
    %ge3A_1519 = arith.constant 0.000000e+00 : f32
    %ge3A_1520 = vector.broadcast %ge3A_1519 : f32 to vector<16xf32>
    %ge3A_1521 = arith.cmpf oge, %add3A_1510, %ge3A_1520 : vector<16xf32>
    %and3A_1522 = arith.andi %and3A_1518, %ge3A_1521 : vector<16xi1>
    %ge3A_1523 = arith.constant 0.000000e+00 : f32
    %ge3A_1524 = vector.broadcast %ge3A_1523 : f32 to vector<16xf32>
    %ge3A_1525 = arith.cmpf oge, %sub3A_1511, %ge3A_1524 : vector<16xf32>
    %and3A_1526 = arith.andi %and3A_1522, %ge3A_1525 : vector<16xi1>
    %get3A_1527 = arith.constant 1072 : index
    %get3A_1528 = tpu.vector_load %arg4[%get3A_1527] {strides = array<i32>} : memref<2128xf32, #tpu.memory_space<vmem>>, vector<16xf32>,
    %get3A_1529 = vector.shape_cast %get3A_1528 : vector<16xf32> to vector<16xf32>
    %get3A_1530 = arith.constant 1408 : index
    %get3A_1531 = tpu.vector_load %arg4[%get3A_1530] {strides = array<i32>} : memref<2128xf32, #tpu.memory_space<vmem>>, vector<16xf32>,
    %get3A_1532 = vector.shape_cast %get3A_1531 : vector<16xf32> to vector<16xf32>
    %get3A_1533 = arith.constant 1744 : index
    %get3A_1534 = tpu.vector_load %arg4[%get3A_1533] {strides = array<i32>} : memref<2128xf32, #tpu.memory_space<vmem>>, vector<16xf32>,
    %get3A_1535 = vector.shape_cast %get3A_1534 : vector<16xf32> to vector<16xf32>
    %get3A_1536 = arith.constant 2080 : index
    %get3A_1537 = tpu.vector_load %arg4[%get3A_1536] {strides = array<i32>} : memref<2128xf32, #tpu.memory_space<vmem>>, vector<16xf32>,
    %get3A_1538 = vector.shape_cast %get3A_1537 : vector<16xf32> to vector<16xf32>
    %add3A_1539 = arith.addf %add3A_1508, %sub3A_1509 : vector<16xf32>
    %add3A_1540 = arith.addf %add3A_1510, %sub3A_1511 : vector<16xf32>
    %mul3A_1541 = arith.mulf %add3A_1539, %add3A_1540 : vector<16xf32>
    %add3A_1542 = arith.addf %get3A_1529, %get3A_1532 : vector<16xf32>
    %add3A_1543 = arith.addf %get3A_1535, %get3A_1538 : vector<16xf32>
    %mul3A_1544 = arith.mulf %add3A_1542, %add3A_1543 : vector<16xf32>
    %min3A_1545 = arith.minimumf %get3A_1529, %add3A_1508 : vector<16xf32>
    %min3A_1546 = arith.minimumf %get3A_1532, %sub3A_1509 : vector<16xf32>
    %add3A_1547 = arith.addf %min3A_1545, %min3A_1546 : vector<16xf32>
    %min3A_1548 = arith.minimumf %get3A_1538, %sub3A_1511 : vector<16xf32>
    %min3A_1549 = arith.minimumf %get3A_1535, %add3A_1510 : vector<16xf32>
    %add3A_1550 = arith.addf %min3A_1548, %min3A_1549 : vector<16xf32>
    %mul3A_1551 = arith.mulf %add3A_1547, %add3A_1550 : vector<16xf32>
    %add3A_1552 = arith.addf %mul3A_1541, %mul3A_1544 : vector<16xf32>
    %sub3A_1553 = arith.subf %add3A_1552, %mul3A_1551 : vector<16xf32>
    %add3A_1554 = arith.constant 1.000000e+00 : f32
    %add3A_1555 = vector.broadcast %add3A_1554 : f32 to vector<16xf32>
    %add3A_1556 = arith.addf %mul3A_1551, %add3A_1555 : vector<16xf32>
    %add3A_1557 = arith.constant 1.000000e+00 : f32
    %add3A_1558 = vector.broadcast %add3A_1557 : f32 to vector<16xf32>
    %add3A_1559 = arith.addf %sub3A_1553, %add3A_1558 : vector<16xf32>
    %div3A_1560 = arith.divf %add3A_1556, %add3A_1559 : vector<16xf32>
    %and3A_1561 = arith.andi %and3A_1507, %and3A_1526 : vector<16xi1>
    %jit3A_1562 = arith.constant 0.000000e+00 : f32
    %broadcast_in_dim3A_1563 = vector.broadcast %jit3A_1562 : f32 to vector<16xf32>
    %select_n3A_1564 = arith.select %and3A_1561, %div3A_1560, %broadcast_in_dim3A_1563 : vector<16xi1>, vector<16xf32>
    %swap3A_1565 = arith.constant 288 : index
    %swap3A_1566 = tpu.vector_load %arg5[%swap3A_1565] {strides = array<i32>} : memref<336xf32, #tpu.memory_space<vmem>>, vector<16xf32>,
    %swap3A_1567 = vector.shape_cast %swap3A_1566 : vector<16xf32> to vector<16xf32>
    %swap3A_1568 = vector.shape_cast %select_n3A_1564 : vector<16xf32> to vector<16xf32>
    tpu.vector_store %arg5[%swap3A_1565], %swap3A_1568 {strides = array<i32>} : memref<336xf32, #tpu.memory_space<vmem>>, vector<16xf32>,
    %get3A_1569 = arith.constant 416 : index
    %get3A_1570 = tpu.vector_load %arg4[%get3A_1569] {strides = array<i32>} : memref<2128xf32, #tpu.memory_space<vmem>>, vector<16xf32>,
    %get3A_1571 = vector.shape_cast %get3A_1570 : vector<16xf32> to vector<16xf32>
    %get3A_1572 = arith.constant 752 : index
    %get3A_1573 = tpu.vector_load %arg4[%get3A_1572] {strides = array<i32>} : memref<2128xf32, #tpu.memory_space<vmem>>, vector<16xf32>,
    %get3A_1574 = vector.shape_cast %get3A_1573 : vector<16xf32> to vector<16xf32>
    %sub3A_1575 = arith.subf %get3A_1571, %get3A_4 : vector<16xf32>
    %sub3A_1576 = arith.subf %get3A_1574, %get3A_7 : vector<16xf32>
    %abs3A_1577 = math.absf %sub3A_1575 : vector<16xf32>
    %abs3A_1578 = math.absf %sub3A_1576 : vector<16xf32>
    %le3A_1579 = arith.constant 1.000000e+01 : f32
    %le3A_1580 = vector.broadcast %le3A_1579 : f32 to vector<16xf32>
    %le3A_1581 = arith.cmpf ole, %abs3A_1577, %le3A_1580 : vector<16xf32>
    %le3A_1582 = arith.constant 1.000000e+01 : f32
    %le3A_1583 = vector.broadcast %le3A_1582 : f32 to vector<16xf32>
    %le3A_1584 = arith.cmpf ole, %abs3A_1578, %le3A_1583 : vector<16xf32>
    %and3A_1585 = arith.andi %le3A_1581, %le3A_1584 : vector<16xi1>
    %le3A_1586 = arith.cmpf ole, %abs3A_1577, %get3A_10 : vector<16xf32>
    %and3A_1587 = arith.andi %and3A_1585, %le3A_1586 : vector<16xi1>
    %le3A_1588 = arith.cmpf ole, %abs3A_1578, %get3A_10 : vector<16xf32>
    %and3A_1589 = arith.andi %and3A_1587, %le3A_1588 : vector<16xi1>
    %add3A_1590 = arith.addf %get3A_13, %sub3A_1576 : vector<16xf32>
    %sub3A_1591 = arith.subf %get3A_16, %sub3A_1576 : vector<16xf32>
    %add3A_1592 = arith.addf %get3A_19, %sub3A_1575 : vector<16xf32>
    %sub3A_1593 = arith.subf %get3A_22, %sub3A_1575 : vector<16xf32>
    %ge3A_1594 = arith.constant 0.000000e+00 : f32
    %ge3A_1595 = vector.broadcast %ge3A_1594 : f32 to vector<16xf32>
    %ge3A_1596 = arith.cmpf oge, %add3A_1590, %ge3A_1595 : vector<16xf32>
    %ge3A_1597 = arith.constant 0.000000e+00 : f32
    %ge3A_1598 = vector.broadcast %ge3A_1597 : f32 to vector<16xf32>
    %ge3A_1599 = arith.cmpf oge, %sub3A_1591, %ge3A_1598 : vector<16xf32>
    %and3A_1600 = arith.andi %ge3A_1596, %ge3A_1599 : vector<16xi1>
    %ge3A_1601 = arith.constant 0.000000e+00 : f32
    %ge3A_1602 = vector.broadcast %ge3A_1601 : f32 to vector<16xf32>
    %ge3A_1603 = arith.cmpf oge, %add3A_1592, %ge3A_1602 : vector<16xf32>
    %and3A_1604 = arith.andi %and3A_1600, %ge3A_1603 : vector<16xi1>
    %ge3A_1605 = arith.constant 0.000000e+00 : f32
    %ge3A_1606 = vector.broadcast %ge3A_1605 : f32 to vector<16xf32>
    %ge3A_1607 = arith.cmpf oge, %sub3A_1593, %ge3A_1606 : vector<16xf32>
    %and3A_1608 = arith.andi %and3A_1604, %ge3A_1607 : vector<16xi1>
    %get3A_1609 = arith.constant 1088 : index
    %get3A_1610 = tpu.vector_load %arg4[%get3A_1609] {strides = array<i32>} : memref<2128xf32, #tpu.memory_space<vmem>>, vector<16xf32>,
    %get3A_1611 = vector.shape_cast %get3A_1610 : vector<16xf32> to vector<16xf32>
    %get3A_1612 = arith.constant 1424 : index
    %get3A_1613 = tpu.vector_load %arg4[%get3A_1612] {strides = array<i32>} : memref<2128xf32, #tpu.memory_space<vmem>>, vector<16xf32>,
    %get3A_1614 = vector.shape_cast %get3A_1613 : vector<16xf32> to vector<16xf32>
    %get3A_1615 = arith.constant 1760 : index
    %get3A_1616 = tpu.vector_load %arg4[%get3A_1615] {strides = array<i32>} : memref<2128xf32, #tpu.memory_space<vmem>>, vector<16xf32>,
    %get3A_1617 = vector.shape_cast %get3A_1616 : vector<16xf32> to vector<16xf32>
    %get3A_1618 = arith.constant 2096 : index
    %get3A_1619 = tpu.vector_load %arg4[%get3A_1618] {strides = array<i32>} : memref<2128xf32, #tpu.memory_space<vmem>>, vector<16xf32>,
    %get3A_1620 = vector.shape_cast %get3A_1619 : vector<16xf32> to vector<16xf32>
    %add3A_1621 = arith.addf %add3A_1590, %sub3A_1591 : vector<16xf32>
    %add3A_1622 = arith.addf %add3A_1592, %sub3A_1593 : vector<16xf32>
    %mul3A_1623 = arith.mulf %add3A_1621, %add3A_1622 : vector<16xf32>
    %add3A_1624 = arith.addf %get3A_1611, %get3A_1614 : vector<16xf32>
    %add3A_1625 = arith.addf %get3A_1617, %get3A_1620 : vector<16xf32>
    %mul3A_1626 = arith.mulf %add3A_1624, %add3A_1625 : vector<16xf32>
    %min3A_1627 = arith.minimumf %get3A_1611, %add3A_1590 : vector<16xf32>
    %min3A_1628 = arith.minimumf %get3A_1614, %sub3A_1591 : vector<16xf32>
    %add3A_1629 = arith.addf %min3A_1627, %min3A_1628 : vector<16xf32>
    %min3A_1630 = arith.minimumf %get3A_1620, %sub3A_1593 : vector<16xf32>
    %min3A_1631 = arith.minimumf %get3A_1617, %add3A_1592 : vector<16xf32>
    %add3A_1632 = arith.addf %min3A_1630, %min3A_1631 : vector<16xf32>
    %mul3A_1633 = arith.mulf %add3A_1629, %add3A_1632 : vector<16xf32>
    %add3A_1634 = arith.addf %mul3A_1623, %mul3A_1626 : vector<16xf32>
    %sub3A_1635 = arith.subf %add3A_1634, %mul3A_1633 : vector<16xf32>
    %add3A_1636 = arith.constant 1.000000e+00 : f32
    %add3A_1637 = vector.broadcast %add3A_1636 : f32 to vector<16xf32>
    %add3A_1638 = arith.addf %mul3A_1633, %add3A_1637 : vector<16xf32>
    %add3A_1639 = arith.constant 1.000000e+00 : f32
    %add3A_1640 = vector.broadcast %add3A_1639 : f32 to vector<16xf32>
    %add3A_1641 = arith.addf %sub3A_1635, %add3A_1640 : vector<16xf32>
    %div3A_1642 = arith.divf %add3A_1638, %add3A_1641 : vector<16xf32>
    %and3A_1643 = arith.andi %and3A_1589, %and3A_1608 : vector<16xi1>
    %jit3A_1644 = arith.constant 0.000000e+00 : f32
    %broadcast_in_dim3A_1645 = vector.broadcast %jit3A_1644 : f32 to vector<16xf32>
    %select_n3A_1646 = arith.select %and3A_1643, %div3A_1642, %broadcast_in_dim3A_1645 : vector<16xi1>, vector<16xf32>
    %swap3A_1647 = arith.constant 304 : index
    %swap3A_1648 = tpu.vector_load %arg5[%swap3A_1647] {strides = array<i32>} : memref<336xf32, #tpu.memory_space<vmem>>, vector<16xf32>,
    %swap3A_1649 = vector.shape_cast %swap3A_1648 : vector<16xf32> to vector<16xf32>
    %swap3A_1650 = vector.shape_cast %select_n3A_1646 : vector<16xf32> to vector<16xf32>
    tpu.vector_store %arg5[%swap3A_1647], %swap3A_1650 {strides = array<i32>} : memref<336xf32, #tpu.memory_space<vmem>>, vector<16xf32>,
    %get3A_1651 = arith.constant 432 : index
    %get3A_1652 = tpu.vector_load %arg4[%get3A_1651] {strides = array<i32>} : memref<2128xf32, #tpu.memory_space<vmem>>, vector<16xf32>,
    %get3A_1653 = vector.shape_cast %get3A_1652 : vector<16xf32> to vector<16xf32>
    %get3A_1654 = arith.constant 768 : index
    %get3A_1655 = tpu.vector_load %arg4[%get3A_1654] {strides = array<i32>} : memref<2128xf32, #tpu.memory_space<vmem>>, vector<16xf32>,
    %get3A_1656 = vector.shape_cast %get3A_1655 : vector<16xf32> to vector<16xf32>
    %sub3A_1657 = arith.subf %get3A_1653, %get3A_4 : vector<16xf32>
    %sub3A_1658 = arith.subf %get3A_1656, %get3A_7 : vector<16xf32>
    %abs3A_1659 = math.absf %sub3A_1657 : vector<16xf32>
    %abs3A_1660 = math.absf %sub3A_1658 : vector<16xf32>
    %le3A_1661 = arith.constant 1.000000e+01 : f32
    %le3A_1662 = vector.broadcast %le3A_1661 : f32 to vector<16xf32>
    %le3A_1663 = arith.cmpf ole, %abs3A_1659, %le3A_1662 : vector<16xf32>
    %le3A_1664 = arith.constant 1.000000e+01 : f32
    %le3A_1665 = vector.broadcast %le3A_1664 : f32 to vector<16xf32>
    %le3A_1666 = arith.cmpf ole, %abs3A_1660, %le3A_1665 : vector<16xf32>
    %and3A_1667 = arith.andi %le3A_1663, %le3A_1666 : vector<16xi1>
    %le3A_1668 = arith.cmpf ole, %abs3A_1659, %get3A_10 : vector<16xf32>
    %and3A_1669 = arith.andi %and3A_1667, %le3A_1668 : vector<16xi1>
    %le3A_1670 = arith.cmpf ole, %abs3A_1660, %get3A_10 : vector<16xf32>
    %and3A_1671 = arith.andi %and3A_1669, %le3A_1670 : vector<16xi1>
    %add3A_1672 = arith.addf %get3A_13, %sub3A_1658 : vector<16xf32>
    %sub3A_1673 = arith.subf %get3A_16, %sub3A_1658 : vector<16xf32>
    %add3A_1674 = arith.addf %get3A_19, %sub3A_1657 : vector<16xf32>
    %sub3A_1675 = arith.subf %get3A_22, %sub3A_1657 : vector<16xf32>
    %ge3A_1676 = arith.constant 0.000000e+00 : f32
    %ge3A_1677 = vector.broadcast %ge3A_1676 : f32 to vector<16xf32>
    %ge3A_1678 = arith.cmpf oge, %add3A_1672, %ge3A_1677 : vector<16xf32>
    %ge3A_1679 = arith.constant 0.000000e+00 : f32
    %ge3A_1680 = vector.broadcast %ge3A_1679 : f32 to vector<16xf32>
    %ge3A_1681 = arith.cmpf oge, %sub3A_1673, %ge3A_1680 : vector<16xf32>
    %and3A_1682 = arith.andi %ge3A_1678, %ge3A_1681 : vector<16xi1>
    %ge3A_1683 = arith.constant 0.000000e+00 : f32
    %ge3A_1684 = vector.broadcast %ge3A_1683 : f32 to vector<16xf32>
    %ge3A_1685 = arith.cmpf oge, %add3A_1674, %ge3A_1684 : vector<16xf32>
    %and3A_1686 = arith.andi %and3A_1682, %ge3A_1685 : vector<16xi1>
    %ge3A_1687 = arith.constant 0.000000e+00 : f32
    %ge3A_1688 = vector.broadcast %ge3A_1687 : f32 to vector<16xf32>
    %ge3A_1689 = arith.cmpf oge, %sub3A_1675, %ge3A_1688 : vector<16xf32>
    %and3A_1690 = arith.andi %and3A_1686, %ge3A_1689 : vector<16xi1>
    %get3A_1691 = arith.constant 1104 : index
    %get3A_1692 = tpu.vector_load %arg4[%get3A_1691] {strides = array<i32>} : memref<2128xf32, #tpu.memory_space<vmem>>, vector<16xf32>,
    %get3A_1693 = vector.shape_cast %get3A_1692 : vector<16xf32> to vector<16xf32>
    %get3A_1694 = arith.constant 1440 : index
    %get3A_1695 = tpu.vector_load %arg4[%get3A_1694] {strides = array<i32>} : memref<2128xf32, #tpu.memory_space<vmem>>, vector<16xf32>,
    %get3A_1696 = vector.shape_cast %get3A_1695 : vector<16xf32> to vector<16xf32>
    %get3A_1697 = arith.constant 1776 : index
    %get3A_1698 = tpu.vector_load %arg4[%get3A_1697] {strides = array<i32>} : memref<2128xf32, #tpu.memory_space<vmem>>, vector<16xf32>,
    %get3A_1699 = vector.shape_cast %get3A_1698 : vector<16xf32> to vector<16xf32>
    %get3A_1700 = arith.constant 2112 : index
    %get3A_1701 = tpu.vector_load %arg4[%get3A_1700] {strides = array<i32>} : memref<2128xf32, #tpu.memory_space<vmem>>, vector<16xf32>,
    %get3A_1702 = vector.shape_cast %get3A_1701 : vector<16xf32> to vector<16xf32>
    %add3A_1703 = arith.addf %add3A_1672, %sub3A_1673 : vector<16xf32>
    %add3A_1704 = arith.addf %add3A_1674, %sub3A_1675 : vector<16xf32>
    %mul3A_1705 = arith.mulf %add3A_1703, %add3A_1704 : vector<16xf32>
    %add3A_1706 = arith.addf %get3A_1693, %get3A_1696 : vector<16xf32>
    %add3A_1707 = arith.addf %get3A_1699, %get3A_1702 : vector<16xf32>
    %mul3A_1708 = arith.mulf %add3A_1706, %add3A_1707 : vector<16xf32>
    %min3A_1709 = arith.minimumf %get3A_1693, %add3A_1672 : vector<16xf32>
    %min3A_1710 = arith.minimumf %get3A_1696, %sub3A_1673 : vector<16xf32>
    %add3A_1711 = arith.addf %min3A_1709, %min3A_1710 : vector<16xf32>
    %min3A_1712 = arith.minimumf %get3A_1702, %sub3A_1675 : vector<16xf32>
    %min3A_1713 = arith.minimumf %get3A_1699, %add3A_1674 : vector<16xf32>
    %add3A_1714 = arith.addf %min3A_1712, %min3A_1713 : vector<16xf32>
    %mul3A_1715 = arith.mulf %add3A_1711, %add3A_1714 : vector<16xf32>
    %add3A_1716 = arith.addf %mul3A_1705, %mul3A_1708 : vector<16xf32>
    %sub3A_1717 = arith.subf %add3A_1716, %mul3A_1715 : vector<16xf32>
    %add3A_1718 = arith.constant 1.000000e+00 : f32
    %add3A_1719 = vector.broadcast %add3A_1718 : f32 to vector<16xf32>
    %add3A_1720 = arith.addf %mul3A_1715, %add3A_1719 : vector<16xf32>
    %add3A_1721 = arith.constant 1.000000e+00 : f32
    %add3A_1722 = vector.broadcast %add3A_1721 : f32 to vector<16xf32>
    %add3A_1723 = arith.addf %sub3A_1717, %add3A_1722 : vector<16xf32>
    %div3A_1724 = arith.divf %add3A_1720, %add3A_1723 : vector<16xf32>
    %and3A_1725 = arith.andi %and3A_1671, %and3A_1690 : vector<16xi1>
    %jit3A_1726 = arith.constant 0.000000e+00 : f32
    %broadcast_in_dim3A_1727 = vector.broadcast %jit3A_1726 : f32 to vector<16xf32>
    %select_n3A_1728 = arith.select %and3A_1725, %div3A_1724, %broadcast_in_dim3A_1727 : vector<16xi1>, vector<16xf32>
    %swap3A_1729 = arith.constant 320 : index
    %swap3A_1730 = tpu.vector_load %arg5[%swap3A_1729] {strides = array<i32>} : memref<336xf32, #tpu.memory_space<vmem>>, vector<16xf32>,
    %swap3A_1731 = vector.shape_cast %swap3A_1730 : vector<16xf32> to vector<16xf32>
    %swap3A_1732 = vector.shape_cast %select_n3A_1728 : vector<16xf32> to vector<16xf32>
    tpu.vector_store %arg5[%swap3A_1729], %swap3A_1732 {strides = array<i32>} : memref<336xf32, #tpu.memory_space<vmem>>, vector<16xf32>,
    %mul3A_1733 = arith.constant 336 : i32
    %mul3A_1734 = arith.muli %arg1, %mul3A_1733 : i32
    "tpu.region"() ({
      %run_scoped3A = tpu.sem_alloc : memref<!tpu.dma_semaphore, #tpu.memory_space<semaphore_mem>>
      %dma_start3A_1735 = tpu.memref_slice %arg3[%mul3A_1734] : memref<5376xf32, #tpu.memory_space<hbm>> -> memref<336xf32, #tpu.memory_space<hbm>>
      %dma_start3A_1736 = tpu.memref_slice %arg3[%mul3A_1734] : memref<5376xf32, #tpu.memory_space<hbm>> -> memref<336xf32, #tpu.memory_space<hbm>>
      tpu.enqueue_dma source(%arg5 : memref<336xf32, #tpu.memory_space<vmem>>) target(%dma_start3A_1736 : memref<336xf32, #tpu.memory_space<hbm>>) target_semaphore(%run_scoped3A : memref<!tpu.dma_semaphore, #tpu.memory_space<semaphore_mem>>)
      %dma_wait3A_1737 = tpu.memref_slice %arg3[%mul3A_1734] : memref<5376xf32, #tpu.memory_space<hbm>> -> memref<336xf32, #tpu.memory_space<hbm>>
      %dma_wait3A_1738 = tpu.memref_slice %arg3[%mul3A_1734] : memref<5376xf32, #tpu.memory_space<hbm>> -> memref<336xf32, #tpu.memory_space<hbm>>
      tpu.wait_dma2 semaphore(%run_scoped3A : memref<!tpu.dma_semaphore, #tpu.memory_space<semaphore_mem>>) src(%arg5 : memref<336xf32, #tpu.memory_space<vmem>>) dst(%dma_wait3A_1738 : memref<336xf32, #tpu.memory_space<hbm>>)
      tpu.yield
    }) : () -> ()
    return
  }
}

</mosaic_0001>

<sc_bundles>
// kernel: kernel.3.cloned.1.call-start
scs
__scs_entry_jumppad:
0x0: {  	(pc) =	sbr.rel $0x88, $3  }
0x1: {  	(tag) =	ssettag $0x0;
	lr =	simm.s32 $0x1  }
0x2: {  	[smem:$0x3F9D] =	sst lr;
	_ =	strace $0xD0000000  }
0x3: {  	_ = 	snop  }
0x4: {  	_ = 	snop  }
0x5: {  	_ = 	snop  }
0x6: {  	_ = 	snop  }
0x7: {  	_ = 	snop  }
__scs_overlays_trampoline_lowered:
0x8: {  	[smem:$0x3FAC] =	sst s0  }
0x9: {  	[smem:$0x3FAD] =	sst s1  }
0xa: {  	[smem:$0x3FAE] =	sst s2  }
0xb: {  	[smem:$0x3FAF] =	sst s3  }
0xc: {  	[smem:$0x3FB0] =	sst s4  }
0xd: {  	[smem:$0x3FB1] =	sst s5  }
0xe: {  	[smem:$0x3FB2] =	sst s6  }
0xf: {  	[smem:$0x3FB3] =	sst s7  }
0x10: {  	[smem:$0x3FB4] =	sst s8  }
0x11: {  	[smem:$0x3FB5] =	sst s9;
	s0 =	simm.s32 @!p0 $0x0  }
0x12: {  	s1 =	sld [smem:$0x3F9B];
	s0 =	simm.s32 @p0 $0x1  }
0x13: {  	[smem:$0x3FB6] =	sst s0;
	s0 =	simm.s32 @!p1 $0x0  }
0x14: {  	s2 =	sld [smem:$0x3F9A];
	s0 =	simm.s32 @p1 $0x1  }
0x15: {  	[smem:$0x3FB7] =	sst s0;
	s0 =	simm.s32 @!p2 $0x0  }
0x16: {  	s3 =	sld [smem:$0x3FDB];
	s0 =	simm.s32 @p2 $0x1  }
0x17: {  	s4 =	simm.s32 $0x1BF5;
	[smem:$0x3FB9] =	sst s0  }
0x18: {  	s0 =	sld [smem:$0x3F9C];
	_ =	swait.ge [sflag:s4], $0x0  }
0x19: {  	s7 =	sld [smem:$0x3F9D]  }
0x1a: {  	s8 =	sadd.s32 $0xFFFFE003, lr  }
0x1b: {  	s9 =	sadd.s32 $0xFFFFFEF7, lr;
	s5 =	simm.s32 $0xFFFFFFFF;
	p2 =	slt.u32 s8, $0xFFFFF086  }
0x1c: {  	p1 =	slt.u32 s9, $0xF7A;
	s5 =	simm.s32 @!p2 $0x0  }
0x1d: {  	s5 =	simm.s32 @p1 $0x1;
	p0 =	seq.s32 s7, s2  }
0x1e: {  	s7 =	smul.u32 @!p0 $0xF7A, s2;
	p2 =	seq.s32 @!p0 s5, $0x0  }
0x1f: {  	s9 =	smul.u32 $0xF7A, s1;
	s8 =	simm.s32 @!p0 $0x1BF5;
	p2 =	por !p2, p0  }
0x20: {  	[sflag:s8] =	ssyncset.s32 @!p0 $0xFFFFF086;
	s6 =	sadd.s32 @!p0 s3, s7;
	s7 =	simm.s32 @!p0 $0x108  }
0x21: {  	s3 =	sadd.s32 s3, s9;
	s6 =	sadd.s32 @!p0 $0x88, s6;
	s7 =	simm.s32 @p2 $0x1082  }
0x22: {  	[simem:s7], [sflag:s8] =	dma.local @!p0 [hbm:s6], $0xF7A  }
0x23: {  	s9 =	sor.u32 $0xD0000000, s2;
	s6 =	simm.s32 $0x108;
	_ =	swait.ge @!p0 [sflag:s8], $0x0  }
0x24: {  	s3 =	sadd.s32 $0x88, s3;
	s6 =	simm.s32 @!p1 $0x1082;
	[sflag:s4] =	ssyncset.s32 $0xFFFFF086  }
0x25: {  	[simem:s6], [sflag:s4] =	dma.local [hbm:s3], $0xF7A  }
0x26: {  	[smem:$0x3F9D] =	sst s1;
	(tag) =	ssettag s2;
	_ =	strace s9  }
0x27: {  	s1 =	sld [smem:$0x3FAD]  }
0x28: {  	s2 =	sld [smem:$0x3FAE]  }
0x29: {  	s4 =	sld [smem:$0x3FB0]  }
0x2a: {  	p0 =	seq.s32 s5, $0x0;
	s5 =	sld [smem:$0x3FB1]  }
0x2b: {  	s6 =	sld [smem:$0x3FB2]  }
0x2c: {  	s7 =	sld [smem:$0x3FB3]  }
0x2d: {  	s3 =	simm.s32 $0x108;
	s8 =	sld [smem:$0x3FB4]  }
0x2e: {  	s3 =	simm.s32 @!p0 $0x1082;
	s9 =	sld [smem:$0x3FB5]  }
0x2f: {  	lr =	sadd.s32 s0, s3;
	s0 =	sld [smem:$0x3FAC]  }
0x30: {  	s3 =	sld [smem:$0x3FAF]  }
0x31: {  	[smem:$0x3FB8] =	sst s10  }
0x32: {  	s10 =	sld [smem:$0x3FB6];
	_ =	sdelay $0x3  }
0x33: {  	p0 =	seq.s32 s10, $0x1;
	s10 =	sld [smem:$0x3FB8];
	_ =	sdelay $0x3  }
0x34: {  	[smem:$0x3FB8] =	sst s10  }
0x35: {  	s10 =	sld [smem:$0x3FB7];
	_ =	sdelay $0x3  }
0x36: {  	p1 =	seq.s32 s10, $0x1;
	s10 =	sld [smem:$0x3FB8];
	_ =	sdelay $0x3  }
0x37: {  	[smem:$0x3FB8] =	sst s10  }
0x38: {  	s10 =	sld [smem:$0x3FB9]  }
0x39: {  	_ = 	snop;
	(pc) =	sbr.ind lr, $3  }
0x3a: {  	_ = 	snop  }
0x3b: {  	_ = 	snop  }
0x3c: {  	p2 =	seq.s32 s10, $0x1;
	s10 =	sld [smem:$0x3FB8]  }
0x3d: {  	_ =	shalt  }
0x3e: {  	_ =	shalt  }
0x3f: {  	_ =	shalt  }
0x40: {  	_ =	shalt  }
0x41: {  	_ =	shalt  }
0x42: {  	_ =	shalt  }
0x43: {  	_ =	shalt  }
0x44: {  	_ =	shalt  }
0x45: {  	_ =	shalt  }
0x46: {  	_ =	shalt  }
0x47: {  	_ =	shalt  }
0x48: {  	_ =	shalt  }
0x49: {  	_ =	shalt  }
0x4a: {  	_ =	shalt  }
0x4b: {  	_ =	shalt  }
0x4c: {  	_ =	shalt  }
0x4d: {  	_ =	shalt  }
0x4e: {  	_ =	shalt  }
0x4f: {  	_ =	shalt  }
0x50: {  	_ =	shalt  }
0x51: {  	_ =	shalt  }
0x52: {  	_ =	shalt  }
0x53: {  	_ =	shalt  }
0x54: {  	_ =	shalt  }
0x55: {  	_ =	shalt  }
0x56: {  	_ =	shalt  }
0x57: {  	_ =	shalt  }
0x58: {  	_ =	shalt  }
0x59: {  	_ =	shalt  }
0x5a: {  	_ =	shalt  }
0x5b: {  	_ =	shalt  }
0x5c: {  	_ =	shalt  }
0x5d: {  	_ =	shalt  }
0x5e: {  	_ =	shalt  }
0x5f: {  	_ =	shalt  }
0x60: {  	_ =	shalt  }
0x61: {  	_ =	shalt  }
0x62: {  	_ =	shalt  }
0x63: {  	_ =	shalt  }
0x64: {  	_ =	shalt  }
0x65: {  	_ =	shalt  }
0x66: {  	_ =	shalt  }
0x67: {  	_ =	shalt  }
0x68: {  	_ =	shalt  }
0x69: {  	_ =	shalt  }
0x6a: {  	_ =	shalt  }
0x6b: {  	_ =	shalt  }
0x6c: {  	_ =	shalt  }
0x6d: {  	_ =	shalt  }
0x6e: {  	_ =	shalt  }
0x6f: {  	_ =	shalt  }
0x70: {  	_ =	shalt  }
0x71: {  	_ =	shalt  }
0x72: {  	_ =	shalt  }
0x73: {  	_ =	shalt  }
0x74: {  	_ =	shalt  }
0x75: {  	_ =	shalt  }
0x76: {  	_ =	shalt  }
0x77: {  	_ =	shalt  }
0x78: {  	_ =	shalt  }
0x79: {  	_ =	shalt  }
0x7a: {  	_ =	shalt  }
0x7b: {  	_ =	shalt  }
0x7c: {  	_ =	shalt  }
0x7d: {  	_ =	shalt  }
0x7e: {  	_ =	shalt  }
0x7f: {  	_ =	shalt  }
0x80: {  	_ =	shalt  }
0x81: {  	_ =	shalt  }
0x82: {  	_ =	shalt  }
0x83: {  	_ =	shalt  }
0x84: {  	_ =	shalt  }
0x85: {  	_ =	shalt  }
0x86: {  	_ =	shalt  }
0x87: {  	_ =	shalt  }
.Lfunc_end0:
.L_simem_size_0:
called_computation_lowered:
.L_overlay_start_0:
0x88: {  	s0 =	sld [smem:$0x3FD9]  }
0x89: {  	s1 =	sld [smem:$0x3FFE];
	_ =	sdelay $0x3  }
0x8a: {  	s0 =	sadd.s32 s1, s0  }
0x8b: {  	[smem:$0x3FC4] =	sst s0  }
0x8c: {  	_ = 	snop  }
0x8d: {  	(tm) =	ssettm $0x1  }
0x8e: {  	s15 =	sld [smem:$0x3FFB];
	_ =	sdelay $0x3  }
0x8f: {  	_ =	strace s15  }
0x90: {  	s0 =	sld [smem:$0x3FFC];
	_ =	sdelay $0x3  }
0x91: {  	_ =	strace s0  }
0x92: {  	s0 =	sld [smem:$0x3FFD];
	_ =	sdelay $0x3  }
0x93: {  	_ =	strace s0  }
0x94: {  	_ =	strace $0x8FFFFFFF  }
0x95: {  	s16 =	sld [smem:$0x3FDB];
	_ =	sdelay $0x1  }
0x96: {  	s17 =	simm.s32 $_scs_section_size  }
0x97: {  	s2 =	simm.s32 $_size__tile_overlayer_lowered;
	s3 =	simm.s32 $_tile_overlayer_lowered  }
0x98: {  	s20 =	simm.s32 $0x1BFF;
	s19 =	sshll.u32 s3, $0x1;
	s0 =	sadd.s32 s17, s16  }
0x99: {  	s4 =	simm.s32 $0x0;
	s18 =	sshll.u32 s2, $0x1;
	s2 =	sadd.s32 s19, s0  }
0x9a: {  	[timem:s4], [sflag:s20] =	dma.local [hbm:s2], s18  }
0x9b: {  	_ =	swait.ge [sflag:s20], s18  }
0x9c: {  	s1 =	ssub.s32 $0x0, s18;
	[sflag:s20] =	ssyncset.done $0x0  }
0x9d: {  	[sflag:s20] =	ssyncadd.s32 s1;
	_ =	sdelay $0x1  }
0x9e: {  	s21 =	simm.s32 $0x1B8B  }
0x9f: {  	_ =	swait.ge [sflag:s21], $0x1  }
0xa0: {  	[sflag:s21] =	ssyncset.done $0x0  }
0xa1: {  	s23 =	simm.s32 $0x1B8E;
	s22 =	sld [smem:$0x3FFE];
	[sflag:s21] =	ssyncadd.s32 $0xFFFFFFFF  }
0xa2: {  	s24 =	simm.s32 $execute0_lowered;
	[smem:$0x3FD2] =	sst s23  }
0xa3: {  	s2 =	sshll.u32 s24, $0x1;
	_ =	strace $0x80000046;
	[dreg:$0x1] =	wrdreg $0xFFFFFFFF  }
0xa4: {  	s25 =	simm.s32 $_size_execute0_lowered;
	s0 =	sadd.s32 s0, s2;
	[dreg:$0x0] =	wrdreg $0x0  }
0xa5: {  	s2 =	sshll.u32 s25, $0x1;
	[dreg:$0x2] =	wrdreg s0  }
0xa6: {  	[dreg:$0x3] =	wrdreg s2  }
0xa7: {  	[dreg:$0x4] =	wrdreg $0xC0  }
0xa8: {  	_ =	task [dreg:s4], $0x5FFFF  }
0xa9: {  	[dreg:$0x1] =	wrdreg $0xFFFFFFFF  }
0xaa: {  	[dreg:$0x0] =	wrdreg $0x60  }
0xab: {  	[dreg:$0x2] =	wrdreg s22  }
0xac: {  	[dreg:$0x3] =	wrdreg $0x9  }
0xad: {  	_ =	task.clear_ibuf [dreg:s4], $0x4FFFF;
	_ =	strace $0x90000046  }
0xae: {  	s26 =	simm.s32 $0x9;
	_ =	strace $0x80000048  }
0xaf: {  	_ =	swait.ge [sflag:s26], $0x1  }
0xb0: {  	[sflag:s26] =	ssyncadd.s32 $0xFFFFFFFF  }
0xb1: {  	_ =	strace $0x90000048  }
0xb2: {  	_ =	sfence  }
0xb3: {  	s28 =	sld [smem:$0x0];
	_ =	sdelay $0x1  }
0xb4: {  	s29 =	srdreg.scid  }
0xb5: {  	s30 =	sshll.u32 s29, $0xD;
	s31 =	sshrl.u32 s29, $0x2  }
0xb6: {  	s1 =	sand.u32 $0x1, s29;
	s2 =	sand.u32 $0x4000, s30;
	s0 =	sadd.s32 s31, s28  }
0xb7: {  	s1 =	sor.u32 s2, s1;
	s0 =	sshll.u32 s0, $0x11  }
0xb8: {  	s0 =	sor.u32 s0, s1  }
0xb9: {  	s0 =	sadd.s32 $0x8F2B, s0  }
0xba: {  	[sflag:s0] =	ssyncadd.remote.s32 $0x1  }
0xbb: {  	_ =	sfence.sel $0xFFFF  }
0xbc: {  	[dreg:$0x0] =	wrdreg $0xFFFFFFFF;
	(pc) =	sbr.abs _section_cstart, $3  }
0xbd: {  	[dreg:$0x1] =	wrdreg $0xFFFFFFFF  }
0xbe: {  	_ =	task.clear_ibuf [dreg:s4], $0x2FFFF;
	_ =	strace $0x9FFFFFFF  }
0xbf: {  	(tm) =	ssettm $0x7FFFFFFF  }
tec
execute0_lowered:
.L_overlay_start_1:
0x0: {  	(tag) =	ssettag $0x1  }
0x1: {  	s0 =	stileid.u32  }
0x2: {  	s3 =	rddreg [dreg:$0x0];
	s4 =	smul.u32 $0x10A, s0  }
0x3: {  	s1 =	rddreg [dreg:$0x1];
	s2 =	simm.s32 $0x0  }
0x4: {  	[smem:$0x7FF] =	sst s2;
	s4 =	sadd.s32 s4, s3  }
0x5: {  	s28 =	simm.s32 $0x1;
	_ =	strace $0x80000047;
	s4 =	sadd.s32 $0x400, s4  }
0x6: {  	[tilespmem:s2], [sflag:$0x1] =	stream.linear.gather [hbm4b:s4+s2], $0x850, $0x38;
	[tilespmem:$0xA00] =	vst v63  }
0x7: {  	_ =	swait.ge [sflag:s28], $0x850  }
0x8: {  	[sflag:s28] =	ssyncset.done $0x0  }
0x9: {  	[sflag:s28] =	ssyncadd.s32 $0xFFFFF7B0  }
0xa: {  	v3 =	vld [tilespmem:$0x0]  }
0xb: {  	v6 =	vld [tilespmem:$0x10]  }
0xc: {  	v1 =	vld [tilespmem:$0x30]  }
0xd: {  	v2 =	vld [tilespmem:$0x40]  }
0xe: {  	v0 =	vld [tilespmem:$0x1C0]  }
0xf: {  	v7 =	vld [tilespmem:$0x70]  }
0x10: {  	v63 =	vld [tilespmem:$0x310]  }
0x11: {  	v9 =	vld [tilespmem:$0x460]  }
0x12: {  	v12 =	vld [tilespmem:$0x5B0]  }
0x13: {  	v15 =	vld [tilespmem:$0x700]  }
0x14: {  	v23 =	vld [tilespmem:$0x80]  }
0x15: {  	v25 =	vld [tilespmem:$0x320]  }
0x16: {  	v27 =	vld [tilespmem:$0x470]  }
0x17: {  	v34 =	vld [tilespmem:$0x1E0]  }
0x18: {  	v35 =	vld [tilespmem:$0x90]  }
0x19: {  	v41 =	vld [tilespmem:$0x330]  }
0x1a: {  	v43 =	vld [tilespmem:$0x480]  }
0x1b: {  	v55 =	vld [tilespmem:$0x1F0]  }
0x1c: {  	v61 =	vld [tilespmem:$0x340]  }
0x1d: {  	v62 =	vld [tilespmem:$0x490];
	v8 =	vsub.f32 v0, v6  }
0x1e: {  	v4 =	vld [tilespmem:$0x50];
	v7 =	vsub.f32 v7, v3;
	v21 =	vadd.f32 v9, v63  }
0x1f: {  	v5 =	vld [tilespmem:$0x60];
	v18 =	vadd.f32 v15, v12;
	v26 =	vsub.f32 v23, v3  }
0x20: {  	v31 =	vadd.f32 v27, v25;
	v40 =	vsub.f32 v34, v6  }
0x21: {  	v42 =	vsub.f32 v35, v3;
	v49 =	vadd.f32 v43, v41  }
0x22: {  	v60 =	vsub.f32 v55, v6;
	v35 =	vadd.f32 v62, v61  }
0x23: {  	v10 =	vadd.f32 v8, v1;
	v11 =	vsub.f32 v2, v8  }
0x24: {  	v13 =	vadd.f32 v7, v4;
	v14 =	vsub.f32 v5, v7  }
0x25: {  	v7 =	vand.u32 $0x7FFFFFFF, v7;
	v8 =	vand.u32 $0x7FFFFFFF, v8;
	v29 =	vadd.f32 v26, v4  }
0x26: {  	v39 =	vand.u32 $0x7FFFFFFF, v26;
	v44 =	vadd.f32 v40, v1;
	v45 =	vsub.f32 v2, v40  }
0x27: {  	v59 =	vand.u32 $0x7FFFFFFF, v42;
	vm0 =	vle.f32 v7, $1.000000000e+01;
	vm1 =	vle.f32 v8, $1.000000000e+01  }
0x28: {  	vm11 =	vle.f32 v39, $1.000000000e+01;
	v16 =	vadd.f32 v11, v10;
	v17 =	vadd.f32 v14, v13  }
0x29: {  	v22 =	vld [tilespmem:$0x1D0];
	v0 =	vmin.f32 v63, v10;
	v9 =	vmin.f32 v9, v11;
	v15 =	vmin.f32 v15, v14  }
0x2a: {  	v12 =	vmin.f32 v12, v13;
	vm0 =	vmand vm0, vm1;
	vm8 =	vge.f32 v10, $0.0e+00  }
0x2b: {  	vm2 =	vge.f32 v11, $0.0e+00;
	vm9 =	vge.f32 v13, $0.0e+00;
	vm10 =	vge.f32 v14, $0.0e+00  }
0x2c: {  	v47 =	vadd.f32 v45, v44;
	v14 =	vmin.f32 v41, v44;
	v51 =	vmin.f32 v43, v45  }
0x2d: {  	v13 =	vand.u32 $0x7FFFFFFF, v40;
	v63 =	vadd.f32 v60, v1;
	v9 =	vadd.f32 v9, v0  }
0x2e: {  	v41 =	vand.u32 $0x7FFFFFFF, v60;
	v12 =	vadd.f32 v15, v12;
	v15 =	vsub.f32 v22, v6  }
0x2f: {  	vm1 =	vmand vm8, vm2;
	v14 =	vadd.f32 v51, v14;
	vm8 =	vge.f32 v29, $0.0e+00  }
0x30: {  	v16 =	vmul.f32 v16, v17;
	v17 =	vmul.f32 v18, v21;
	v21 =	vsub.f32 v5, v26  }
0x31: {  	v20 =	vld [tilespmem:$0x5C0];
	vm1 =	vmand vm9, vm1;
	vm5 =	vge.f32 v63, $0.0e+00;
	v9 =	vmul.f32 v12, v9  }
0x32: {  	v0 =	vld [tilespmem:$0x20];
	v28 =	vadd.f32 v15, v1;
	v19 =	vsub.f32 v2, v15;
	vm1 =	vmand vm10, vm1  }
0x33: {  	v22 =	vld [tilespmem:$0x710];
	v15 =	vand.u32 $0x7FFFFFFF, v15;
	vm10 =	vle.f32 v59, $1.000000000e+01;
	v24 =	vadd.f32 v17, v16  }
0x34: {  	v23 =	vadd.f32 v21, v29;
	vm3 =	vle.f32 v15, $1.000000000e+01;
	vm9 =	vge.f32 v21, $0.0e+00  }
0x35: {  	v17 =	vsub.f32 v2, v60;
	v30 =	vadd.f32 v19, v28;
	v33 =	vmin.f32 v25, v28  }
0x36: {  	v18 =	vmin.f32 v27, v19;
	vm12 =	vmand vm11, vm3;
	vm15 =	vge.f32 v28, $0.0e+00  }
0x37: {  	vm4 =	vge.f32 v19, $0.0e+00;
	vm11 =	vle.f32 v13, $1.000000000e+01;
	v12 =	vsub.f32 v24, v9  }
0x38: {  	vm6 =	vle.f32 v7, v0;
	vm7 =	vle.f32 v8, v0;
	v32 =	vadd.f32 v22, v20  }
0x39: {  	v22 =	vmin.f32 v22, v21;
	v20 =	vmin.f32 v20, v29;
	v36 =	vadd.f32 v18, v33  }
0x3a: {  	v9 =	vadd.f32 $1.000000000e+00, v9;
	v24 =	vsub.f32 v5, v42;
	vm13 =	vle.f32 v39, v0  }
0x3b: {  	vm14 =	vle.f32 v15, v0;
	vm3 =	vmand vm10, vm11;
	v33 =	vadd.f32 v17, v63  }
0x3c: {  	v46 =	vld [tilespmem:$0x5D0];
	v15 =	vmin.f32 v61, v63;
	v16 =	vmin.f32 v62, v17;
	vm0 =	vmand vm6, vm0  }
0x3d: {  	v25 =	vld [tilespmem:$0x720];
	v8 =	vmul.f32 v30, v23;
	v37 =	vadd.f32 v22, v20;
	v23 =	vadd.f32 v42, v4  }
0x3e: {  	v15 =	vadd.f32 v16, v15;
	v12 =	vadd.f32 $1.000000000e+00, v12;
	v10 =	vmul.f32 v32, v31  }
0x3f: {  	vm6 =	vge.f32 v17, $0.0e+00;
	vm0 =	vmand vm7, vm0;
	vm7 =	vmand vm15, vm4  }
0x40: {  	v28 =	vld [tilespmem:$0x5E0];
	v11 =	vmul.f32 v37, v36;
	(erf) = vrcp.f32 v12;
	v8 =	vadd.f32 v10, v8  }
0x41: {  	vm15 =	vge.f32 v44, $0.0e+00;
	vm10 =	vge.f32 v24, $0.0e+00;
	v26 =	vadd.f32 v24, v23;
	v37 =	vld [tilespmem:$0x200]  }
0x42: {  	v32 =	vld [tilespmem:$0x730];
	vm4 =	vle.f32 v41, v0;
	v50 =	vadd.f32 v25, v46;
	v8 =	vsub.f32 v8, v11  }
0x43: {  	vm0 =	vmand vm0, vm1;
	v53 =	vmin.f32 v46, v23;
	v52 =	vmin.f32 v25, v24  }
0x44: {  	v43 =	vld [tilespmem:$0x350];
	v48 =	vmul.f32 v47, v26;
	v10 =	vmul.f32 v50, v49;
	v8 =	vadd.f32 $1.000000000e+00, v8  }
0x45: {  	v27 =	vld [tilespmem:$0x740];
	vm1 =	vmand vm13, vm12;
	vm12 =	vle.f32 v59, v0;
	v54 =	vadd.f32 v52, v53  }
0x46: {  	v42 =	vsub.f32 v37, v6;
	(erf) = vrcp.f32 v8;
	v8 =	vadd.f32 v10, v48;
	v48 =	vld [tilespmem:$0x5F0]  }
0x47: {  	v58 =	vadd.f32 $1.000000000e+00, v11;
	v57 =	vmul.f32 v54, v14;
	v36 =	vadd.f32 v32, v28  }
0x48: {  	v56 =	vld [tilespmem:$0xA0];
	vm13 =	vmand vm12, vm3;
	v46 =	vadd.f32 v42, v1;
	v47 =	vsub.f32 v2, v42  }
0x49: {  	v18 =	vmul.f32 v36, v35;
	v12 =	vadd.f32 $1.000000000e+00, v57;
	v8 =	vsub.f32 v8, v57;
	v38 =	vpop (erf)  }
0x4a: {  	v14 =	vand.u32 $0x7FFFFFFF, v42;
	v49 =	vadd.f32 v47, v46;
	v9 =	vmul.f32 v38, v9  }
0x4b: {  	v53 =	vmin.f32 v43, v46;
	v8 =	vadd.f32 $1.000000000e+00, v8;
	v52 =	vadd.f32 v27, v48  }
0x4c: {  	v7 =	vnsel vm0, $0x0, v9;
	vm0 =	vmand vm14, vm1;
	vm1 =	vmand vm8, vm7  }
0x4d: {  	v38 =	vld [tilespmem:$0xB0];
	v9 =	vsub.f32 v56, v3;
	vm14 =	vle.f32 v13, v0;
	vm8 =	vge.f32 v45, $0.0e+00  }
0x4e: {  	vm1 =	vmand vm9, vm1;
	vm2 =	vmand vm14, vm13;
	vm3 =	vmand vm15, vm8  }
0x4f: {  	vm9 =	vge.f32 v23, $0.0e+00;
	vm13 =	vle.f32 v41, $1.000000000e+01;
	v30 =	vadd.f32 v9, v4  }
0x50: {  	v31 =	vsub.f32 v5, v9;
	vm3 =	vmand vm9, vm3;
	vm0 =	vmand vm0, vm1  }
0x51: {  	v54 =	vld [tilespmem:$0x210];
	v9 =	vand.u32 $0x7FFFFFFF, v9;
	vm1 =	vmand vm5, vm6;
	v29 =	vpop (erf);
	(erf) = vrcp.f32 v8  }
0x52: {  	vm3 =	vmand vm10, vm3;
	vm12 =	vle.f32 v9, $1.000000000e+01;
	v44 =	vsub.f32 v38, v3  }
0x53: {  	v45 =	vld [tilespmem:$0x4A0];
	vm14 =	vle.f32 v9, v0;
	vm10 =	vle.f32 v14, $1.000000000e+01;
	v10 =	vmul.f32 v29, v58  }
0x54: {  	v34 =	vadd.f32 v31, v30;
	v8 =	vmin.f32 v32, v31;
	v19 =	vmin.f32 v28, v30  }
0x55: {  	vm11 =	vmand vm2, vm3;
	vm2 =	vmand vm12, vm13;
	vm7 =	vge.f32 v30, $0.0e+00  }
0x56: {  	vm8 =	vge.f32 v31, $0.0e+00;
	v32 =	vsub.f32 v54, v6;
	v8 =	vadd.f32 v8, v19  }
0x57: {  	vm13 =	vle.f32 v14, v0;
	v24 =	vadd.f32 v44, v4;
	v26 =	vsub.f32 v5, v44  }
0x58: {  	vm15 =	vmand vm14, vm2;
	v51 =	vadd.f32 v45, v43;
	v55 =	vmin.f32 v45, v47  }
0x59: {  	v35 =	vld [tilespmem:$0x4B0];
	vm1 =	vmand vm7, vm1;
	v63 =	vand.u32 $0x7FFFFFFF, v44;
	vm14 =	vge.f32 v46, $0.0e+00  }
0x5a: {  	v38 =	vld [tilespmem:$0x600];
	v13 =	vmul.f32 v33, v34;
	v9 =	vnsel vm0, $0x0, v10;
	vm0 =	vmand vm4, vm15  }
0x5b: {  	v58 =	vld [tilespmem:$0xC0];
	v59 =	vadd.f32 v55, v53;
	vm1 =	vmand vm8, vm1;
	vm9 =	vle.f32 v63, $1.000000000e+01  }
0x5c: {  	v28 =	vld [tilespmem:$0x750];
	v36 =	vadd.f32 v32, v1;
	v37 =	vsub.f32 v2, v32;
	vm12 =	vle.f32 v63, v0  }
0x5d: {  	v30 =	vld [tilespmem:$0x230];
	vm15 =	vge.f32 v47, $0.0e+00;
	v15 =	vmul.f32 v8, v15;
	v50 =	vadd.f32 v26, v24  }
0x5e: {  	v33 =	vld [tilespmem:$0x360];
	v56 =	vmin.f32 v27, v26;
	v57 =	vmin.f32 v48, v24;
	v11 =	vmul.f32 v52, v51  }
0x5f: {  	v47 =	vld [tilespmem:$0x220];
	vm0 =	vmand vm0, vm1;
	v40 =	vadd.f32 v18, v13;
	v60 =	vadd.f32 v56, v57  }
0x60: {  	v31 =	vld [tilespmem:$0xE0];
	v41 =	vadd.f32 v37, v36;
	v10 =	vmul.f32 v49, v50;
	v34 =	vsub.f32 v58, v3  }
0x61: {  	vm7 =	vmand vm14, vm15;
	v48 =	vld [tilespmem:$0xD0];
	v43 =	vadd.f32 v28, v38;
	v8 =	vsub.f32 v40, v15  }
0x62: {  	vm8 =	vge.f32 v24, $0.0e+00;
	v15 =	vadd.f32 $1.000000000e+00, v15;
	v10 =	vadd.f32 v11, v10  }
0x63: {  	v18 =	vmin.f32 v35, v37;
	v40 =	vsub.f32 v5, v34;
	v42 =	vadd.f32 v35, v33  }
0x64: {  	v16 =	vmin.f32 v33, v36;
	v50 =	vsub.f32 v47, v6;
	v33 =	vsub.f32 v30, v6  }
0x65: {  	vm15 =	vge.f32 v36, $0.0e+00;
	v35 =	vsub.f32 v31, v3;
	v8 =	vadd.f32 $1.000000000e+00, v8  }
0x66: {  	v49 =	vand.u32 $0x7FFFFFFF, v34;
	v39 =	vpop (erf);
	v16 =	vadd.f32 v18, v16;
	v11 =	vsub.f32 v48, v3  }
0x67: {  	v12 =	vmul.f32 v39, v12;
	v39 =	vadd.f32 v34, v4;
	v44 =	vmin.f32 v28, v40  }
0x68: {  	v51 =	vld [tilespmem:$0x370];
	v14 =	vmul.f32 v43, v42;
	v53 =	vadd.f32 v50, v1;
	v54 =	vsub.f32 v2, v50  }
0x69: {  	v52 =	vld [tilespmem:$0x4C0];
	v17 =	vand.u32 $0x7FFFFFFF, v50;
	(erf) = vrcp.f32 v8;
	v57 =	vadd.f32 v11, v4  }
0x6a: {  	v58 =	vsub.f32 v5, v11;
	v11 =	vand.u32 $0x7FFFFFFF, v11;
	vm4 =	vle.f32 v17, v0  }
0x6b: {  	v55 =	vld [tilespmem:$0x610];
	v8 =	vnsel vm11, $0x0, v12;
	v12 =	vmul.f32 v60, v59;
	vm11 =	vmand vm9, vm10  }
0x6c: {  	v36 =	vld [tilespmem:$0x4D0];
	v29 =	vadd.f32 v40, v39;
	v45 =	vmin.f32 v38, v39;
	vm9 =	vge.f32 v26, $0.0e+00  }
0x6d: {  	v34 =	vld [tilespmem:$0x380];
	vm10 =	vle.f32 v49, $1.000000000e+01;
	v60 =	vadd.f32 v54, v53;
	v18 =	vmin.f32 v51, v53  }
0x6e: {  	v59 =	vld [tilespmem:$0x760];
	v20 =	vmin.f32 v52, v54;
	v38 =	vsub.f32 v2, v33;
	vm5 =	vge.f32 v53, $0.0e+00  }
0x6f: {  	vm6 =	vge.f32 v54, $0.0e+00;
	vm1 =	vmand vm12, vm11;
	v46 =	vadd.f32 v44, v45  }
0x70: {  	vm12 =	vle.f32 v49, v0;
	v18 =	vadd.f32 v20, v18;
	v13 =	vmul.f32 v41, v29  }
0x71: {  	v23 =	vmin.f32 v55, v57;
	v10 =	vsub.f32 v10, v12;
	v12 =	vadd.f32 $1.000000000e+00, v12  }
0x72: {  	v16 =	vmul.f32 v46, v16;
	v44 =	vadd.f32 v36, v34;
	v13 =	vadd.f32 v14, v13  }
0x73: {  	v10 =	vadd.f32 $1.000000000e+00, v10;
	v63 =	vadd.f32 v59, v55;
	v28 =	vmin.f32 v59, v58  }
0x74: {  	v48 =	vmin.f32 v36, v38;
	v13 =	vsub.f32 v13, v16;
	v29 =	vadd.f32 v28, v23  }
0x75: {  	v55 =	vand.u32 $0x7FFFFFFF, v35;
	v16 =	vadd.f32 $1.000000000e+00, v16;
	v28 =	vsub.f32 v5, v35;
	v61 =	vpop (erf)  }
0x76: {  	(erf) = vrcp.f32 v10;
	v13 =	vadd.f32 $1.000000000e+00, v13;
	v62 =	vmul.f32 v61, v15  }
0x77: {  	v18 =	vmul.f32 v29, v18;
	v15 =	vand.u32 $0x7FFFFFFF, v32;
	v61 =	vadd.f32 v58, v57  }
0x78: {  	vm11 =	vle.f32 v15, $1.000000000e+01;
	vm14 =	vle.f32 v15, v0;
	v10 =	vnsel vm0, $0x0, v62  }
0x79: {  	v50 =	vld [tilespmem:$0xF0];
	vm0 =	vmand vm13, vm1;
	vm1 =	vmand vm8, vm7;
	vm3 =	vmand vm10, vm11  }
0x7a: {  	vm8 =	vge.f32 v37, $0.0e+00;
	v15 =	vmul.f32 v60, v61;
	v62 =	vadd.f32 v52, v51  }
0x7b: {  	vm10 =	vge.f32 v40, $0.0e+00;
	v37 =	vadd.f32 v33, v1;
	vm7 =	vge.f32 v57, $0.0e+00  }
0x7c: {  	vm1 =	vmand vm9, vm1;
	vm13 =	vmand vm12, vm3;
	vm3 =	vmand vm15, vm8  }
0x7d: {  	vm9 =	vge.f32 v39, $0.0e+00;
	vm12 =	vle.f32 v11, $1.000000000e+01;
	vm8 =	vge.f32 v58, $0.0e+00  }
0x7e: {  	v47 =	vld [tilespmem:$0x240];
	v58 =	vsub.f32 v50, v3;
	vm2 =	vmand vm14, vm13;
	v19 =	vmul.f32 v63, v62  }
0x7f: {  	v31 =	vld [tilespmem:$0x780];
	vm3 =	vmand vm9, vm3;
	vm0 =	vmand vm0, vm1;
	vm13 =	vle.f32 v17, $1.000000000e+01  }
0x80: {  	v40 =	vld [tilespmem:$0x770];
	vm14 =	vle.f32 v11, v0;
	v41 =	vadd.f32 v38, v37;
	vm1 =	vmand vm5, vm6  }
0x81: {  	v59 =	vld [tilespmem:$0x4E0];
	v46 =	vmin.f32 v34, v37;
	vm9 =	vle.f32 v55, $1.000000000e+01;
	vm3 =	vmand vm10, vm3  }
0x82: {  	v57 =	vld [tilespmem:$0x390];
	v51 =	vadd.f32 v48, v46;
	vm1 =	vmand vm7, vm1;
	v29 =	vadd.f32 v58, v4  }
0x83: {  	v39 =	vld [tilespmem:$0x620];
	v30 =	vsub.f32 v5, v58;
	v15 =	vadd.f32 v19, v15;
	vm11 =	vmand vm2, vm3  }
0x84: {  	v62 =	vld [tilespmem:$0x630];
	vm2 =	vmand vm12, vm13;
	vm1 =	vmand vm8, vm1;
	v19 =	vand.u32 $0x7FFFFFFF, v33  }
0x85: {  	vm12 =	vle.f32 v55, v0;
	vm15 =	vmand vm14, vm2;
	v49 =	vmin.f32 v40, v28  }
0x86: {  	vm10 =	vle.f32 v19, $1.000000000e+01;
	vm13 =	vle.f32 v19, v0;
	v56 =	vpop (erf);
	(erf) = vrcp.f32 v13  }
0x87: {  	vm14 =	vge.f32 v37, $0.0e+00;
	v33 =	vadd.f32 v59, v57;
	v15 =	vsub.f32 v15, v18  }
0x88: {  	v45 =	vadd.f32 v40, v39;
	v18 =	vadd.f32 $1.000000000e+00, v18;
	v12 =	vmul.f32 v56, v12  }
0x89: {  	v56 =	vsub.f32 v47, v6;
	v34 =	vadd.f32 v31, v62;
	v36 =	vmin.f32 v62, v29  }
0x8a: {  	v15 =	vadd.f32 $1.000000000e+00, v15;
	v14 =	vmul.f32 v45, v44;
	v12 =	vnsel vm0, $0x0, v12  }
0x8b: {  	vm0 =	vmand vm4, vm15;
	v60 =	vadd.f32 v56, v1;
	v61 =	vsub.f32 v2, v56  }
0x8c: {  	vm15 =	vge.f32 v38, $0.0e+00;
	v19 =	vmul.f32 v34, v33;
	vm0 =	vmand vm0, vm1  }
0x8d: {  	vm7 =	vmand vm14, vm15;
	v20 =	vmin.f32 v57, v60;
	v22 =	vmin.f32 v59, v61  }
0x8e: {  	v38 =	vld [tilespmem:$0x250];
	v63 =	vadd.f32 v61, v60;
	vm15 =	vge.f32 v60, $0.0e+00;
	v20 =	vadd.f32 v22, v20  }
0x8f: {  	v57 =	vld [tilespmem:$0x110];
	v32 =	vpop (erf);
	(erf) = vrcp.f32 v15;
	v15 =	vadd.f32 v35, v4;
	v35 =	vmin.f32 v31, v30  }
0x90: {  	v16 =	vmul.f32 v32, v16;
	v32 =	vadd.f32 v30, v29;
	v37 =	vadd.f32 v35, v36  }
0x91: {  	v42 =	vadd.f32 v28, v15;
	v27 =	vmin.f32 v39, v15;
	vm8 =	vge.f32 v15, $0.0e+00  }
0x92: {  	v62 =	vld [tilespmem:$0x3B0];
	v11 =	vnsel vm11, $0x0, v16;
	v52 =	vadd.f32 v49, v27;
	vm11 =	vmand vm9, vm10  }
0x93: {  	v36 =	vld [tilespmem:$0x500];
	v17 =	vmul.f32 v63, v32;
	v40 =	vmul.f32 v37, v20;
	vm9 =	vge.f32 v28, $0.0e+00  }
0x94: {  	v39 =	vld [tilespmem:$0x100];
	v63 =	vsub.f32 v57, v3;
	v43 =	vmul.f32 v41, v42;
	v42 =	vsub.f32 v38, v6  }
0x95: {  	vm1 =	vmand vm12, vm11;
	v17 =	vadd.f32 v19, v17;
	v15 =	vadd.f32 $1.000000000e+00, v40  }
0x96: {  	v41 =	vand.u32 $0x7FFFFFFF, v58;
	v31 =	vadd.f32 v63, v4;
	v32 =	vsub.f32 v5, v63  }
0x97: {  	v44 =	vld [tilespmem:$0x4F0];
	v16 =	vmul.f32 v52, v51;
	v13 =	vadd.f32 v14, v43;
	v45 =	vadd.f32 v42, v1  }
0x98: {  	v24 =	vsub.f32 v2, v42;
	v20 =	vand.u32 $0x7FFFFFFF, v42;
	v42 =	vadd.f32 v36, v62  }
0x99: {  	v46 =	vld [tilespmem:$0x640];
	vm10 =	vle.f32 v41, $1.000000000e+01;
	v17 =	vsub.f32 v17, v40;
	v14 =	vsub.f32 v39, v3  }
0x9a: {  	v49 =	vld [tilespmem:$0x790];
	vm12 =	vle.f32 v41, v0;
	v41 =	vadd.f32 v32, v31;
	v13 =	vsub.f32 v13, v16  }
0x9b: {  	v43 =	vld [tilespmem:$0x3A0];
	vm4 =	vle.f32 v20, v0;
	v16 =	vadd.f32 $1.000000000e+00, v16;
	v50 =	vadd.f32 v24, v45  }
0x9c: {  	v22 =	vmin.f32 v44, v24;
	vm5 =	vge.f32 v45, $0.0e+00;
	v17 =	vadd.f32 $1.000000000e+00, v17  }
0x9d: {  	vm6 =	vge.f32 v24, $0.0e+00;
	v53 =	vpop (erf);
	v48 =	vadd.f32 v14, v4;
	v28 =	vsub.f32 v5, v14  }
0x9e: {  	v14 =	vand.u32 $0x7FFFFFFF, v14;
	v54 =	vmul.f32 v53, v18;
	v18 =	vand.u32 $0x7FFFFFFF, v56  }
0x9f: {  	v33 =	vld [tilespmem:$0x7A0];
	v13 =	vadd.f32 $1.000000000e+00, v13;
	v53 =	vadd.f32 v49, v46;
	vm11 =	vle.f32 v18, $1.000000000e+01  }
0xa0: {  	v39 =	vld [tilespmem:$0x650];
	vm14 =	vle.f32 v18, v0;
	v51 =	vadd.f32 v28, v48;
	v52 =	vadd.f32 v44, v43  }
0xa1: {  	v21 =	vmin.f32 v43, v45;
	v25 =	vmin.f32 v46, v48;
	(erf) = vrcp.f32 v13  }
0xa2: {  	v13 =	vnsel vm0, $0x0, v54;
	vm0 =	vmand vm13, vm1;
	vm1 =	vmand vm8, vm7  }
0xa3: {  	vm3 =	vmand vm10, vm11;
	vm8 =	vge.f32 v61, $0.0e+00;
	v54 =	vmin.f32 v49, v28  }
0xa4: {  	v21 =	vadd.f32 v22, v21;
	vm10 =	vge.f32 v30, $0.0e+00;
	vm7 =	vge.f32 v48, $0.0e+00  }
0xa5: {  	v43 =	vadd.f32 v33, v39;
	v48 =	vmin.f32 v39, v31;
	vm1 =	vmand vm9, vm1  }
0xa6: {  	vm13 =	vmand vm12, vm3;
	vm3 =	vmand vm15, vm8;
	vm9 =	vge.f32 v29, $0.0e+00  }
0xa7: {  	v56 =	vld [tilespmem:$0x260];
	v18 =	vmul.f32 v50, v51;
	v23 =	vmul.f32 v53, v52;
	v55 =	vadd.f32 v54, v25  }
0xa8: {  	vm12 =	vle.f32 v14, $1.000000000e+01;
	vm8 =	vge.f32 v28, $0.0e+00;
	v54 =	vand.u32 $0x7FFFFFFF, v63  }
0xa9: {  	v45 =	vld [tilespmem:$0x270];
	vm2 =	vmand vm14, vm13;
	vm3 =	vmand vm9, vm3;
	vm0 =	vmand vm0, vm1  }
0xaa: {  	vm13 =	vle.f32 v20, $1.000000000e+01;
	vm14 =	vle.f32 v14, v0;
	vm1 =	vmand vm5, vm6  }
0xab: {  	vm9 =	vle.f32 v54, $1.000000000e+01;
	vm3 =	vmand vm10, vm3;
	v21 =	vmul.f32 v55, v21  }
0xac: {  	v49 =	vld [tilespmem:$0x120];
	v18 =	vadd.f32 v23, v18;
	v61 =	vsub.f32 v56, v6;
	v47 =	vpop (erf);
	(erf) = vrcp.f32 v17  }
0xad: {  	vm1 =	vmand vm7, vm1;
	vm11 =	vmand vm2, vm3;
	vm2 =	vmand vm12, vm13  }
0xae: {  	vm1 =	vmand vm8, vm1;
	v55 =	vsub.f32 v45, v6;
	vm12 =	vle.f32 v54, v0  }
0xaf: {  	vm8 =	vge.f32 v31, $0.0e+00;
	v60 =	vsub.f32 v18, v21;
	v37 =	vadd.f32 v61, v1  }
0xb0: {  	v38 =	vsub.f32 v2, v61;
	vm15 =	vmand vm14, vm2;
	v18 =	vand.u32 $0x7FFFFFFF, v61  }
0xb1: {  	v34 =	vld [tilespmem:$0x7B0];
	v21 =	vadd.f32 $1.000000000e+00, v21;
	v57 =	vsub.f32 v49, v3;
	vm10 =	vle.f32 v18, $1.000000000e+01  }
0xb2: {  	v61 =	vld [tilespmem:$0x660];
	vm13 =	vle.f32 v18, v0;
	v40 =	vadd.f32 v38, v37;
	v44 =	vmin.f32 v62, v37  }
0xb3: {  	v46 =	vmin.f32 v36, v38;
	v30 =	vadd.f32 v57, v4;
	v62 =	vsub.f32 v5, v57  }
0xb4: {  	vm14 =	vge.f32 v37, $0.0e+00;
	v50 =	vadd.f32 v46, v44;
	v17 =	vmul.f32 v43, v42  }
0xb5: {  	v35 =	vadd.f32 v62, v30;
	v16 =	vmul.f32 v47, v16;
	v47 =	vmin.f32 v33, v32;
	v58 =	vpop (erf)  }
0xb6: {  	v51 =	vadd.f32 v47, v48;
	v59 =	vmul.f32 v58, v15;
	v15 =	vadd.f32 $1.000000000e+00, v60  }
0xb7: {  	v42 =	vand.u32 $0x7FFFFFFF, v57;
	v37 =	vadd.f32 v34, v61;
	v28 =	vmin.f32 v61, v30  }
0xb8: {  	v56 =	vld [tilespmem:$0x3C0];
	v19 =	vmul.f32 v51, v50;
	v60 =	vsub.f32 v2, v55;
	(erf) = vrcp.f32 v15  }
0xb9: {  	v58 =	vld [tilespmem:$0x510];
	v15 =	vnsel vm0, $0x0, v16;
	v14 =	vnsel vm11, $0x0, v59;
	vm0 =	vmand vm4, vm15  }
0xba: {  	v16 =	vmul.f32 v40, v41;
	v59 =	vadd.f32 v55, v1;
	vm11 =	vmand vm9, vm10  }
0xbb: {  	vm15 =	vge.f32 v38, $0.0e+00;
	v38 =	vmin.f32 v34, v62;
	v40 =	vld [tilespmem:$0x280];
	vm9 =	vge.f32 v32, $0.0e+00  }
0xbc: {  	v41 =	vld [tilespmem:$0x130];
	vm10 =	vle.f32 v42, $1.000000000e+01;
	vm0 =	vmand vm0, vm1;
	v39 =	vadd.f32 v38, v28  }
0xbd: {  	vm1 =	vmand vm12, vm11;
	v16 =	vadd.f32 v17, v16;
	v63 =	vadd.f32 v60, v59  }
0xbe: {  	vm7 =	vmand vm14, vm15;
	v22 =	vmin.f32 v56, v59;
	v36 =	vadd.f32 v58, v56  }
0xbf: {  	v24 =	vmin.f32 v58, v60;
	v16 =	vsub.f32 v16, v19;
	v35 =	vmul.f32 v63, v35  }
0xc0: {  	v45 =	vld [tilespmem:$0x520];
	v22 =	vadd.f32 v24, v22;
	v19 =	vadd.f32 $1.000000000e+00, v19;
	v20 =	vmul.f32 v37, v36  }
0xc1: {  	v44 =	vld [tilespmem:$0x3D0];
	vm12 =	vle.f32 v42, v0;
	v43 =	vsub.f32 v40, v6;
	v17 =	vsub.f32 v41, v3  }
0xc2: {  	v46 =	vld [tilespmem:$0x670];
	vm15 =	vge.f32 v59, $0.0e+00;
	v16 =	vadd.f32 $1.000000000e+00, v16;
	v18 =	vadd.f32 v20, v35  }
0xc3: {  	v22 =	vmul.f32 v39, v22;
	v20 =	vadd.f32 v43, v1;
	v28 =	vsub.f32 v2, v43  }
0xc4: {  	v48 =	vadd.f32 v17, v4;
	v34 =	vsub.f32 v5, v17;
	v59 =	vand.u32 $0x7FFFFFFF, v43  }
0xc5: {  	v17 =	vand.u32 $0x7FFFFFFF, v17;
	vm4 =	vle.f32 v59, v0;
	v18 =	vsub.f32 v18, v22  }
0xc6: {  	v54 =	vld [tilespmem:$0x290];
	v52 =	vpop (erf);
	(erf) = vrcp.f32 v16;
	v50 =	vadd.f32 v28, v20;
	v51 =	vadd.f32 v34, v48  }
0xc7: {  	v49 =	vld [tilespmem:$0x7C0];
	v24 =	vmin.f32 v44, v20;
	v27 =	vmin.f32 v45, v28;
	v29 =	vmin.f32 v46, v48  }
0xc8: {  	v61 =	vld [tilespmem:$0x3E0];
	v22 =	vadd.f32 $1.000000000e+00, v22;
	vm5 =	vge.f32 v20, $0.0e+00;
	vm6 =	vge.f32 v28, $0.0e+00  }
0xc9: {  	v41 =	vld [tilespmem:$0x530];
	v53 =	vmul.f32 v52, v21;
	v21 =	vand.u32 $0x7FFFFFFF, v55;
	v52 =	vadd.f32 v45, v44  }
0xca: {  	v24 =	vadd.f32 v27, v24;
	vm11 =	vle.f32 v21, $1.000000000e+01;
	v18 =	vadd.f32 $1.000000000e+00, v18  }
0xcb: {  	vm14 =	vle.f32 v21, v0;
	v21 =	vmul.f32 v50, v51;
	v16 =	vnsel vm0, $0x0, v53  }
0xcc: {  	vm0 =	vmand vm13, vm1;
	vm1 =	vmand vm8, vm7;
	vm3 =	vmand vm10, vm11  }
0xcd: {  	vm8 =	vge.f32 v60, $0.0e+00;
	v53 =	vadd.f32 v49, v46;
	vm10 =	vge.f32 v62, $0.0e+00  }
0xce: {  	v60 =	vsub.f32 v54, v6;
	vm7 =	vge.f32 v48, $0.0e+00;
	v46 =	vadd.f32 v41, v61  }
0xcf: {  	v55 =	vld [tilespmem:$0x140];
	vm1 =	vmand vm9, vm1;
	vm13 =	vmand vm12, vm3;
	vm3 =	vmand vm15, vm8  }
0xd0: {  	vm9 =	vge.f32 v30, $0.0e+00;
	vm12 =	vle.f32 v17, $1.000000000e+01;
	vm8 =	vge.f32 v34, $0.0e+00  }
0xd1: {  	vm2 =	vmand vm14, vm13;
	v25 =	vmul.f32 v53, v52;
	vm3 =	vmand vm9, vm3  }
0xd2: {  	vm0 =	vmand vm0, vm1;
	vm13 =	vle.f32 v59, $1.000000000e+01;
	vm14 =	vle.f32 v17, v0  }
0xd3: {  	v51 =	vld [tilespmem:$0x150];
	v42 =	vadd.f32 v60, v1;
	v43 =	vsub.f32 v2, v60;
	vm1 =	vmand vm5, vm6  }
0xd4: {  	v63 =	vld [tilespmem:$0x680];
	v23 =	vand.u32 $0x7FFFFFFF, v60;
	vm3 =	vmand vm10, vm3;
	v62 =	vsub.f32 v55, v3  }
0xd5: {  	v36 =	vld [tilespmem:$0x7D0];
	vm1 =	vmand vm7, vm1;
	vm10 =	vle.f32 v23, $1.000000000e+01;
	v57 =	vadd.f32 v25, v21  }
0xd6: {  	vm11 =	vmand vm2, vm3;
	vm2 =	vmand vm12, vm13;
	v44 =	vadd.f32 v43, v42  }
0xd7: {  	v48 =	vmin.f32 v61, v42;
	v27 =	vmin.f32 v41, v43;
	vm1 =	vmand vm8, vm1  }
0xd8: {  	v59 =	vsub.f32 v51, v3;
	v47 =	vpop (erf);
	(erf) = vrcp.f32 v18;
	v18 =	vmin.f32 v49, v34  }
0xd9: {  	vm13 =	vle.f32 v23, v0;
	v33 =	vadd.f32 v62, v4;
	v49 =	vld [tilespmem:$0x2A0];
	v18 =	vadd.f32 v18, v29  }
0xda: {  	v40 =	vsub.f32 v5, v62;
	v19 =	vmul.f32 v47, v19;
	v47 =	vadd.f32 v36, v63  }
0xdb: {  	v37 =	vld [tilespmem:$0x7E0];
	vm15 =	vmand vm14, vm2;
	v52 =	vadd.f32 v27, v48;
	v24 =	vmul.f32 v18, v24  }
0xdc: {  	v45 =	vadd.f32 v40, v33;
	v50 =	vmin.f32 v36, v40;
	v20 =	vmul.f32 v47, v46;
	v46 =	vld [tilespmem:$0x160]  }
0xdd: {  	v60 =	vld [tilespmem:$0x540];
	v31 =	vmin.f32 v63, v33;
	v63 =	vsub.f32 v5, v59;
	v18 =	vsub.f32 v57, v24  }
0xde: {  	v61 =	vld [tilespmem:$0x690];
	vm14 =	vge.f32 v42, $0.0e+00;
	v53 =	vadd.f32 v50, v31;
	v57 =	vsub.f32 v49, v6  }
0xdf: {  	v26 =	vand.u32 $0x7FFFFFFF, v59;
	v24 =	vadd.f32 $1.000000000e+00, v24;
	v18 =	vadd.f32 $1.000000000e+00, v18  }
0xe0: {  	v21 =	vmul.f32 v53, v52;
	v28 =	vadd.f32 v57, v1;
	v31 =	vsub.f32 v2, v57  }
0xe1: {  	v50 =	vsub.f32 v46, v3;
	v56 =	vpop (erf);
	(erf) = vrcp.f32 v18;
	v18 =	vnsel vm0, $0x0, v19  }
0xe2: {  	vm0 =	vmand vm4, vm15;
	v19 =	vmul.f32 v44, v45;
	v41 =	vadd.f32 v31, v28  }
0xe3: {  	vm15 =	vge.f32 v43, $0.0e+00;
	v43 =	vadd.f32 v37, v61;
	v27 =	vmin.f32 v60, v31  }
0xe4: {  	v45 =	vmin.f32 v37, v63;
	vm6 =	vge.f32 v28, $0.0e+00;
	v58 =	vmul.f32 v56, v22  }
0xe5: {  	v56 =	vand.u32 $0x7FFFFFFF, v62;
	v62 =	vadd.f32 v59, v4;
	vm0 =	vmand vm0, vm1  }
0xe6: {  	vm8 =	vmand vm14, vm15;
	v35 =	vadd.f32 v50, v4;
	v37 =	vsub.f32 v5, v50  }
0xe7: {  	vm14 =	vle.f32 v26, v0;
	v19 =	vadd.f32 v20, v19;
	vm9 =	vle.f32 v56, $1.000000000e+01  }
0xe8: {  	vm12 =	vle.f32 v56, v0;
	v17 =	vnsel vm11, $0x0, v58;
	vm11 =	vmand vm9, vm10  }
0xe9: {  	v58 =	vld [tilespmem:$0x3F0];
	v38 =	vadd.f32 v63, v62;
	v32 =	vmin.f32 v61, v62;
	vm9 =	vge.f32 v33, $0.0e+00  }
0xea: {  	vm10 =	vge.f32 v40, $0.0e+00;
	v19 =	vsub.f32 v19, v21;
	vm1 =	vmand vm12, vm11  }
0xeb: {  	v51 =	vld [tilespmem:$0x550];
	v47 =	vadd.f32 v45, v32;
	v21 =	vadd.f32 $1.000000000e+00, v21;
	vm11 =	vle.f32 v26, $1.000000000e+01  }
0xec: {  	v49 =	vld [tilespmem:$0x400];
	v22 =	vmul.f32 v41, v38;
	vm7 =	vmand vm13, vm1;
	vm1 =	vmand vm9, vm8  }
0xed: {  	v41 =	vadd.f32 v37, v35;
	vm9 =	vge.f32 v62, $0.0e+00;
	v19 =	vadd.f32 $1.000000000e+00, v19  }
0xee: {  	v44 =	vld [tilespmem:$0x2B0];
	vm1 =	vmand vm10, vm1;
	v42 =	vadd.f32 v60, v58;
	v25 =	vmin.f32 v58, v28  }
0xef: {  	vm10 =	vge.f32 v63, $0.0e+00;
	v54 =	vpop (erf);
	(erf) = vrcp.f32 v19;
	v25 =	vadd.f32 v27, v25  }
0xf0: {  	v60 =	vld [tilespmem:$0x2C0];
	v27 =	vand.u32 $0x7FFFFFFF, v50;
	v55 =	vmul.f32 v54, v24;
	v23 =	vmul.f32 v43, v42  }
0xf1: {  	v24 =	vand.u32 $0x7FFFFFFF, v57;
	v57 =	vadd.f32 v51, v49;
	v25 =	vmul.f32 v47, v25  }
0xf2: {  	vm12 =	vle.f32 v24, $1.000000000e+01;
	vm8 =	vle.f32 v24, v0;
	v19 =	vnsel vm0, $0x0, v55  }
0xf3: {  	v54 =	vld [tilespmem:$0x6A0];
	v48 =	vadd.f32 v23, v22;
	v22 =	vsub.f32 v44, v6;
	vm0 =	vmand vm7, vm1  }
0xf4: {  	vm13 =	vmand vm11, vm12;
	vm7 =	vge.f32 v31, $0.0e+00;
	vm11 =	vle.f32 v27, $1.000000000e+01  }
0xf5: {  	vm15 =	vmand vm14, vm13;
	vm1 =	vmand vm6, vm7;
	v63 =	vsub.f32 v60, v6  }
0xf6: {  	vm14 =	vle.f32 v27, v0;
	v20 =	vsub.f32 v48, v25;
	v52 =	vadd.f32 v22, v1  }
0xf7: {  	v55 =	vld [tilespmem:$0x7F0];
	v53 =	vsub.f32 v2, v22;
	vm1 =	vmand vm9, vm1;
	v25 =	vadd.f32 $1.000000000e+00, v25  }
0xf8: {  	v22 =	vand.u32 $0x7FFFFFFF, v22;
	v33 =	vmin.f32 v54, v35;
	vm1 =	vmand vm10, vm1  }
0xf9: {  	v46 =	vadd.f32 v63, v1;
	vm12 =	vle.f32 v22, $1.000000000e+01;
	vm9 =	vle.f32 v22, v0  }
0xfa: {  	v44 =	vld [tilespmem:$0x410];
	vm10 =	vge.f32 v35, $0.0e+00;
	v20 =	vadd.f32 $1.000000000e+00, v20;
	v40 =	vadd.f32 v53, v52  }
0xfb: {  	v45 =	vld [tilespmem:$0x560];
	v23 =	vmin.f32 v49, v52;
	v29 =	vmin.f32 v51, v53;
	vm13 =	vmand vm11, vm12  }
0xfc: {  	v61 =	vld [tilespmem:$0x170];
	vm11 =	vge.f32 v37, $0.0e+00;
	v58 =	vadd.f32 v55, v54;
	v38 =	vmin.f32 v55, v37  }
0xfd: {  	v47 =	vld [tilespmem:$0x6B0];
	v23 =	vadd.f32 v29, v23;
	v39 =	vpop (erf);
	(erf) = vrcp.f32 v20;
	v59 =	vadd.f32 v38, v33  }
0xfe: {  	v49 =	vld [tilespmem:$0x800];
	v56 =	vmul.f32 v40, v41;
	v33 =	vsub.f32 v2, v63;
	v21 =	vmul.f32 v39, v21  }
0xff: {  	v28 =	vmin.f32 v44, v46;
	v39 =	vmul.f32 v58, v57;
	v23 =	vmul.f32 v59, v23  }
0x100: {  	v50 =	vadd.f32 v33, v46;
	v29 =	vmin.f32 v45, v33;
	v20 =	vnsel vm0, $0x0, v21  }
0x101: {  	v26 =	vadd.f32 v39, v56;
	vm0 =	vmand vm8, vm15;
	v21 =	vsub.f32 v61, v3  }
0x102: {  	vm15 =	vge.f32 v52, $0.0e+00;
	vm8 =	vge.f32 v53, $0.0e+00;
	v52 =	vadd.f32 v45, v44  }
0x103: {  	v57 =	vld [tilespmem:$0x180];
	v53 =	vadd.f32 v49, v47;
	v28 =	vadd.f32 v29, v28;
	vm0 =	vmand vm0, vm1  }
0x104: {  	vm1 =	vmand vm14, vm13;
	vm3 =	vmand vm15, vm8;
	v62 =	vsub.f32 v26, v23  }
0x105: {  	vm8 =	vge.f32 v46, $0.0e+00;
	v38 =	vadd.f32 v21, v4;
	v39 =	vsub.f32 v5, v21  }
0x106: {  	v27 =	vmul.f32 v53, v52;
	vm3 =	vmand vm10, vm3;
	v23 =	vadd.f32 $1.000000000e+00, v23  }
0x107: {  	vm1 =	vmand vm9, vm1;
	v21 =	vand.u32 $0x7FFFFFFF, v21;
	v26 =	vand.u32 $0x7FFFFFFF, v63  }
0x108: {  	v59 =	vld [tilespmem:$0x420];
	vm9 =	vge.f32 v33, $0.0e+00;
	vm12 =	vmand vm11, vm3;
	v60 =	vsub.f32 v57, v3  }
0x109: {  	v61 =	vld [tilespmem:$0x570];
	vm13 =	vle.f32 v21, $1.000000000e+01;
	vm14 =	vle.f32 v26, $1.000000000e+01;
	vm6 =	vle.f32 v21, v0  }
0x10a: {  	vm10 =	vle.f32 v26, v0;
	v24 =	vadd.f32 $1.000000000e+00, v62;
	v51 =	vadd.f32 v39, v38  }
0x10b: {  	v56 =	vld [tilespmem:$0x2D0];
	v54 =	vmin.f32 v49, v39;
	v34 =	vmin.f32 v47, v38;
	vm1 =	vmand vm1, vm12  }
0x10c: {  	v63 =	vld [tilespmem:$0x810];
	vm15 =	vmand vm13, vm14;
	vm11 =	vge.f32 v38, $0.0e+00;
	v55 =	vadd.f32 v54, v34  }
0x10d: {  	v62 =	vld [tilespmem:$0x6C0];
	vm12 =	vge.f32 v39, $0.0e+00;
	v37 =	vadd.f32 v60, v4;
	v40 =	vsub.f32 v5, v60  }
0x10e: {  	vm7 =	vmand vm6, vm15;
	v47 =	vadd.f32 v61, v59;
	v57 =	vand.u32 $0x7FFFFFFF, v60  }
0x10f: {  	v48 =	vpop (erf);
	(erf) = vrcp.f32 v24;
	v24 =	vmul.f32 v50, v51;
	vm13 =	vle.f32 v57, $1.000000000e+01  }
0x110: {  	vm4 =	vle.f32 v57, v0;
	v25 =	vmul.f32 v48, v25;
	v28 =	vmul.f32 v55, v28  }
0x111: {  	v42 =	vadd.f32 v40, v37;
	v50 =	vmin.f32 v63, v40;
	v24 =	vadd.f32 v27, v24  }
0x112: {  	v55 =	vld [tilespmem:$0x190];
	v27 =	vsub.f32 v56, v6;
	v22 =	vnsel vm0, $0x0, v25;
	v48 =	vadd.f32 v63, v62  }
0x113: {  	v51 =	vmin.f32 v62, v37;
	vm0 =	vmand vm10, vm7;
	v24 =	vsub.f32 v24, v28  }
0x114: {  	v54 =	vld [tilespmem:$0x2E0];
	vm7 =	vge.f32 v37, $0.0e+00;
	v34 =	vadd.f32 v27, v1;
	v35 =	vsub.f32 v2, v27  }
0x115: {  	v62 =	vld [tilespmem:$0x6D0];
	v53 =	vadd.f32 v50, v51;
	v28 =	vadd.f32 $1.000000000e+00, v28;
	v27 =	vand.u32 $0x7FFFFFFF, v27  }
0x116: {  	v63 =	vld [tilespmem:$0x820];
	vm14 =	vle.f32 v27, $1.000000000e+01;
	v24 =	vadd.f32 $1.000000000e+00, v24;
	v45 =	vadd.f32 v35, v34  }
0x117: {  	v29 =	vmin.f32 v59, v34;
	v49 =	vmin.f32 v61, v35;
	v59 =	vld [tilespmem:$0x430];
	v26 =	vsub.f32 v55, v3  }
0x118: {  	v61 =	vld [tilespmem:$0x580];
	vm15 =	vmand vm13, vm14;
	vm5 =	vge.f32 v34, $0.0e+00;
	vm6 =	vge.f32 v35, $0.0e+00  }
0x119: {  	v52 =	vadd.f32 v49, v29;
	v46 =	vmul.f32 v45, v42;
	v39 =	vadd.f32 v26, v4  }
0x11a: {  	v41 =	vsub.f32 v5, v26;
	v26 =	vand.u32 $0x7FFFFFFF, v26;
	v58 =	vpop (erf);
	(erf) = vrcp.f32 v24  }
0x11b: {  	v24 =	vmul.f32 v48, v47;
	v25 =	vmul.f32 v53, v52;
	vm10 =	vle.f32 v26, $1.000000000e+01  }
0x11c: {  	v23 =	vmul.f32 v58, v23;
	v58 =	vsub.f32 v54, v6;
	v44 =	vadd.f32 v41, v39  }
0x11d: {  	v48 =	vmin.f32 v63, v41;
	v49 =	vmin.f32 v62, v39;
	v45 =	vadd.f32 v61, v59  }
0x11e: {  	v51 =	vadd.f32 v48, v49;
	v21 =	vnsel vm1, $0x0, v23;
	v23 =	vadd.f32 v24, v46  }
0x11f: {  	v47 =	vld [tilespmem:$0x2F0];
	vm1 =	vmand vm8, vm9;
	v33 =	vadd.f32 v58, v1;
	v36 =	vsub.f32 v2, v58  }
0x120: {  	v52 =	vld [tilespmem:$0x440];
	v46 =	vadd.f32 v63, v62;
	vm8 =	vle.f32 v27, v0;
	v29 =	vand.u32 $0x7FFFFFFF, v58  }
0x121: {  	v54 =	vld [tilespmem:$0x590];
	vm9 =	vge.f32 v40, $0.0e+00;
	vm1 =	vmand vm11, vm1;
	vm11 =	vle.f32 v29, $1.000000000e+01  }
0x122: {  	v50 =	vld [tilespmem:$0x1A0];
	vm13 =	vle.f32 v29, v0;
	vm1 =	vmand vm12, vm1;
	v23 =	vsub.f32 v23, v25  }
0x123: {  	v62 =	vld [tilespmem:$0x6F0];
	v43 =	vadd.f32 v36, v33;
	v30 =	vmin.f32 v59, v33;
	v32 =	vmin.f32 v61, v36  }
0x124: {  	v63 =	vld [tilespmem:$0x840];
	v25 =	vadd.f32 $1.000000000e+00, v25;
	v31 =	vsub.f32 v47, v6;
	vm12 =	vle.f32 v26, v0  }
0x125: {  	vm14 =	vge.f32 v33, $0.0e+00;
	vm3 =	vmand vm10, vm11;
	vm0 =	vmand vm0, vm1  }
0x126: {  	v57 =	vld [tilespmem:$0x450];
	vm1 =	vmand vm5, vm6;
	v30 =	vadd.f32 v32, v30;
	v59 =	vadd.f32 v54, v52  }
0x127: {  	v61 =	vld [tilespmem:$0x5A0];
	v60 =	vadd.f32 $1.000000000e+00, v23;
	vm1 =	vmand vm7, vm1;
	v35 =	vadd.f32 v31, v1  }
0x128: {  	v37 =	vsub.f32 v2, v31;
	vm7 =	vge.f32 v39, $0.0e+00;
	v27 =	vmul.f32 v51, v30  }
0x129: {  	v55 =	vld [tilespmem:$0x6E0];
	vm1 =	vmand vm9, vm1;
	v30 =	vsub.f32 v50, v3;
	v48 =	vadd.f32 v63, v62;
	v56 =	vpop (erf)  }
0x12a: {  	(erf) = vrcp.f32 v60;
	v32 =	vmin.f32 v54, v37;
	v24 =	vmul.f32 v56, v28  }
0x12b: {  	v28 =	vmul.f32 v46, v45;
	v40 =	vadd.f32 v30, v4;
	v42 =	vsub.f32 v5, v30  }
0x12c: {  	v56 =	vld [tilespmem:$0x830];
	v45 =	vadd.f32 v37, v35;
	v47 =	vadd.f32 v61, v57;
	v23 =	vnsel vm0, $0x0, v24  }
0x12d: {  	vm0 =	vmand vm4, vm15;
	v24 =	vmul.f32 v43, v44;
	v43 =	vld [tilespmem:$0x300];
	v46 =	vadd.f32 v42, v40  }
0x12e: {  	v44 =	vld [tilespmem:$0x1B0];
	v34 =	vmin.f32 v55, v40;
	vm15 =	vge.f32 v36, $0.0e+00;
	v49 =	vmul.f32 v48, v47  }
0x12f: {  	vm5 =	vge.f32 v42, $0.0e+00;
	vm0 =	vmand vm8, vm0;
	v24 =	vadd.f32 v28, v24  }
0x130: {  	vm8 =	vge.f32 v41, $0.0e+00;
	v28 =	vmin.f32 v52, v35;
	v52 =	vadd.f32 $1.000000000e+00, v27  }
0x131: {  	vm2 =	vmand vm0, vm1;
	v60 =	vadd.f32 v56, v55;
	v24 =	vsub.f32 v24, v27  }
0x132: {  	v58 =	vmul.f32 v45, v46;
	v28 =	vadd.f32 v32, v28;
	v6 =	vsub.f32 v43, v6  }
0x133: {  	vm1 =	vmand vm12, vm3;
	v3 =	vsub.f32 v44, v3;
	v24 =	vadd.f32 $1.000000000e+00, v24  }
0x134: {  	v29 =	vmul.f32 v60, v59;
	v1 =	vadd.f32 v6, v1;
	v2 =	vsub.f32 v2, v6  }
0x135: {  	v38 =	vmin.f32 v56, v42;
	v4 =	vadd.f32 v3, v4;
	v5 =	vsub.f32 v5, v3  }
0x136: {  	v34 =	vadd.f32 v38, v34;
	v53 =	vpop (erf);
	v26 =	vadd.f32 v29, v58;
	(erf) = vrcp.f32 v24  }
0x137: {  	v44 =	vadd.f32 v2, v1;
	v45 =	vadd.f32 v5, v4;
	v24 =	vmin.f32 v57, v1  }
0x138: {  	v50 =	vmin.f32 v61, v2;
	v32 =	vmin.f32 v63, v5;
	v51 =	vmin.f32 v62, v4  }
0x139: {  	v24 =	vadd.f32 v50, v24;
	v32 =	vadd.f32 v32, v51;
	v29 =	vmul.f32 v44, v45  }
0x13a: {  	[tilespmem:$0x880] =	vst v7;
	vm0 =	vmand vm13, vm1;
	v56 =	vand.u32 $0x7FFFFFFF, v30;
	v28 =	vmul.f32 v34, v28  }
0x13b: {  	[tilespmem:$0x890] =	vst v9;
	v25 =	vmul.f32 v53, v25;
	v53 =	vmul.f32 v32, v24;
	v54 =	vadd.f32 v49, v29  }
0x13c: {  	[tilespmem:$0x8A0] =	vst v8;
	vm13 =	vge.f32 v35, $0.0e+00;
	vm9 =	vle.f32 v56, $1.000000000e+01;
	v26 =	vsub.f32 v26, v28  }
0x13d: {  	[tilespmem:$0x8B0] =	vst v10;
	vm10 =	vle.f32 v56, v0;
	v58 =	vand.u32 $0x7FFFFFFF, v31;
	v57 =	vsub.f32 v54, v53  }
0x13e: {  	[tilespmem:$0x8C0] =	vst v12;
	v3 =	vand.u32 $0x7FFFFFFF, v3;
	v6 =	vand.u32 $0x7FFFFFFF, v6;
	v26 =	vadd.f32 $1.000000000e+00, v26  }
0x13f: {  	[tilespmem:$0x8D0] =	vst v11;
	vm11 =	vle.f32 v58, $1.000000000e+01;
	vm12 =	vle.f32 v58, v0;
	v10 =	vadd.f32 $1.000000000e+00, v57  }
0x140: {  	[tilespmem:$0x8E0] =	vst v13;
	v59 =	vadd.f32 $1.000000000e+00, v28;
	vm6 =	vle.f32 v3, $1.000000000e+01;
	(erf) = vrcp.f32 v26  }
0x141: {  	[tilespmem:$0x8F0] =	vst v15;
	v25 =	vnsel vm2, $0x0, v25;
	vm2 =	vmand vm14, vm15;
	v55 =	vpop (erf);
	(erf) = vrcp.f32 v10  }
0x142: {  	[tilespmem:$0x900] =	vst v14;
	vm14 =	vge.f32 v37, $0.0e+00;
	vm2 =	vmand vm7, vm2;
	vm7 =	vle.f32 v6, $1.000000000e+01  }
0x143: {  	[tilespmem:$0x910] =	vst v16;
	vm15 =	vge.f32 v40, $0.0e+00;
	vm1 =	vmand vm8, vm2;
	vm8 =	vmand vm6, vm7  }
0x144: {  	[tilespmem:$0x920] =	vst v18;
	vm0 =	vmand vm0, vm1;
	vm1 =	vmand vm9, vm11;
	vm11 =	vge.f32 v2, $0.0e+00  }
0x145: {  	[tilespmem:$0x930] =	vst v17;
	vm1 =	vmand vm10, vm1;
	vm10 =	vge.f32 v1, $0.0e+00;
	v7 =	vmul.f32 v55, v52  }
0x146: {  	[tilespmem:$0x940] =	vst v19;
	vm9 =	vle.f32 v3, v0;
	vm1 =	vmand vm12, vm1;
	vm2 =	vmand vm10, vm11  }
0x147: {  	[tilespmem:$0x950] =	vst v20;
	vm12 =	vge.f32 v4, $0.0e+00;
	v7 =	vnsel vm0, $0x0, v7;
	vm0 =	vmand vm13, vm14  }
0x148: {  	[tilespmem:$0x960] =	vst v22;
	v61 =	vadd.f32 $1.000000000e+00, v53;
	vm2 =	vmand vm12, vm2;
	vm0 =	vmand vm15, vm0  }
0x149: {  	[tilespmem:$0x970] =	vst v21;
	vm13 =	vle.f32 v6, v0;
	vm14 =	vge.f32 v5, $0.0e+00;
	v60 =	vpop (erf);
	vm0 =	vmand vm5, vm0  }
0x14a: {  	[tilespmem:$0x980] =	vst v23;
	v8 =	vmul.f32 v60, v59;
	vm0 =	vmand vm1, vm0;
	vm1 =	vmand vm9, vm8;
	v62 =	vpop (erf)  }
0x14b: {  	s29 =	smul.u32 $0x2A, s0;
	[tilespmem:$0x990] =	vst v25;
	vm2 =	vmand vm14, vm2;
	vm1 =	vmand vm13, vm1;
	v0 =	vmul.f32 v62, v61  }
0x14c: {  	[tilespmem:$0x9A0] =	vst v7;
	v63 =	vnsel vm0, $0x0, v8;
	vm15 =	vmand vm1, vm2  }
0x14d: {  	s3 =	sadd.s32 s29, s3;
	[tilespmem:$0x9B0] =	vst v63;
	v0 =	vnsel vm15, $0x0, v0  }
0x14e: {  	s30 =	simm.s32 $0x880;
	s31 =	simm.s32 $0x2;
	s3 =	sadd.s32 $0x1600, s3;
	[tilespmem:$0x9C0] =	vst v0  }
0x14f: {  	[hbm4b:s3+s2] =	stream.linear.scatter [tilespmem:s30], [sflag:$0x2], $0x150, $0x38;
	[tilespmem:$0xA00] =	vst v63  }
0x150: {  	_ =	swait.ge [sflag:s31], $0x150  }
0x151: {  	[sflag:s31] =	ssyncset.done $0x0  }
0x152: {  	[sflag:s31] =	ssyncadd.s32 $0xFFFFFEB0  }
0x153: {  	_ =	sfence.sel $0x180000  }
0x154: {  	[bflag:$0x0] =	sbarrier.arrive $0xFFFF  }
0x155: {  	p0 =	sne.s32 s0, $0x0;
	_ =	strace $0x90000047  }
0x156: {  	s0 =	sadd.s32 @!p0 $0x100000, s1;
	[bflag:$0x2] =	sbarrier.arrive $0xFFFF  }
0x157: {  	[sflag:s0] =	ssyncadd.tile.s32 @!p0 $0x1;
	_ =	shalt  }
.Lfunc_end2:
_tile_overlayer_lowered:
.L_overlay_start_2:
0x158: {  	(tag) =	ssettag $0x2  }
0x159: {  	s0 =	rddreg [dreg:$0x0];
	s2 =	stileid.u32  }
0x15a: {  	s1 =	rddreg [dreg:$0x1];
	p0 =	sne.s32 s2, $0x0  }
0x15b: {  	s3 =	rddreg [dreg:$0x2];
	[bflag:$0x3] =	sbarrier.arrive $0xFFFF;
	s2 =	simm.s32 @!p0 $0x1C02  }
0x15c: {  	[timem:s3], [sflag:s2] =	dma.local @!p0 [hbm:s0], s1  }
0x15d: {  	s0 =	simm.s32 @!p0 $0x2  }
0x15e: {  	_ =	swait.ge @!p0 [sflag:s0], s1  }
0x15f: {  	s1 =	ssub.s32 @!p0 $0x0, s1;
	[sflag:s0] =	ssyncset.done @!p0 $0x0  }
0x160: {  	[sflag:s0] =	ssyncadd.s32 @!p0 s1  }
0x161: {  	[bflag:$0x3] =	sbarrier.arrive $0xFFFF  }
0x162: {  	_ =	shalt  }

</sc_bundles>
